<compile_context>
chip_gen: v7x
topology: tpu7x:2x2x1
jax: 0.10.2.dev20260603
libtpu: 0.0.44.dev20260713+nightly
codegen_flags: <defaults>
</compile_context>

<pallas_src>
import functools

import jax
import jax.numpy as jnp
from jax import lax
from jax.experimental import pallas as pl
from jax.experimental.pallas import tpu as pltpu
from jax.experimental.pallas import tpu_sc as plsc

NNODES = 10000
D = 128
NPAD = 10240
NTILES = 32
EB = 128
BR = 512
NEG = -1e30
NROWS_T = NPAD // 16



def _head_math(h, al_ref, ar_ref, w_ref, i):
    feat = jnp.dot(h, w_ref[...], preferred_element_type=jnp.float32)
    el = jnp.sum(feat * al_ref[...], axis=1)
    er = jnp.sum(feat * ar_ref[...], axis=1)
    rows = i * BR + lax.broadcasted_iota(jnp.int32, (BR,), 0)
    valid = rows < NNODES
    el = jnp.where(valid, el, NEG)
    er = jnp.where(valid, er, NEG)
    return feat, el, er


def _head_finish(i, el, er, el_ref, er_ref, m_ref, mx_ref):
    el_ref[...] = el.reshape(1, BR)
    er_ref[...] = er.reshape(1, BR)

    @pl.when(i == 0)
    def _():
        mx_ref[0] = NEG
        mx_ref[1] = NEG

    mx_ref[0] = jnp.maximum(mx_ref[0], jnp.max(el))
    mx_ref[1] = jnp.maximum(mx_ref[1], jnp.max(er))

    @pl.when(i == pl.num_programs(0) - 1)
    def _():
        m = jnp.maximum(mx_ref[0] + mx_ref[1], 0.0)
        m_ref[...] = jnp.full((1, 16), m, jnp.float32)


def _head_body(h_ref, w_ref, al_ref, ar_ref,
               feat_ref, el_ref, er_ref, m_ref, mx_ref):
    i = pl.program_id(0)
    feat, el, er = _head_math(h_ref[...], al_ref, ar_ref, w_ref, i)
    feat_ref[...] = feat
    _head_finish(i, el, er, el_ref, er_ref, m_ref, mx_ref)


def _merge_elu(num_ref, den_ref, b_ref):
    ns = num_ref[0] + num_ref[1]
    dn = den_ref[0, 0] + den_ref[1, 0]
    dn = jnp.maximum(dn, 1e-30)
    h = ns / dn[:, None] + b_ref[...]
    return jnp.where(h > 0, h, jnp.exp(jnp.minimum(h, 0.0)) - 1.0)


def _merge_head_body(num_ref, den_ref, b_ref, w_ref, al_ref, ar_ref,
                     feat_ref, el_ref, er_ref, m_ref, mx_ref):
    i = pl.program_id(0)
    h = _merge_elu(num_ref, den_ref, b_ref)
    feat, el, er = _head_math(h, al_ref, ar_ref, w_ref, i)
    feat_ref[...] = feat
    _head_finish(i, el, er, el_ref, er_ref, m_ref, mx_ref)


def _merge_out_body(num_ref, den_ref, b_ref, out_ref):
    out_ref[...] = _merge_elu(num_ref, den_ref, b_ref)


_HEAD_OUT_SPECS = [
    pl.BlockSpec((BR, D), lambda i: (i, 0)),
    pl.BlockSpec((1, BR), lambda i: (0, i)),
    pl.BlockSpec((1, BR), lambda i: (0, i)),
    pl.BlockSpec((1, 16), lambda i: (0, 0)),
]
_HEAD_OUT_SHAPE = [
    jax.ShapeDtypeStruct((NPAD, D), jnp.float32),
    jax.ShapeDtypeStruct((1, NPAD), jnp.float32),
    jax.ShapeDtypeStruct((1, NPAD), jnp.float32),
    jax.ShapeDtypeStruct((1, 16), jnp.float32),
]
_FULL = lambda i: (0, 0)


def _head(h, W, al, ar):
    return pl.pallas_call(
        _head_body,
        grid=(NPAD // BR,),
        in_specs=[
            pl.BlockSpec((BR, D), lambda i: (i, 0)),
            pl.BlockSpec((D, D), _FULL),
            pl.BlockSpec((1, D), _FULL),
            pl.BlockSpec((1, D), _FULL),
        ],
        out_specs=_HEAD_OUT_SPECS,
        out_shape=_HEAD_OUT_SHAPE,
        scratch_shapes=[pltpu.SMEM((2,), jnp.float32)],
    )(h, W, al, ar)


def _merge_head(num, den, b, W, al, ar):
    return pl.pallas_call(
        _merge_head_body,
        grid=(NPAD // BR,),
        in_specs=[
            pl.BlockSpec((2, BR, D), lambda i: (0, i, 0)),
            pl.BlockSpec((2, 1, BR), lambda i: (0, 0, i)),
            pl.BlockSpec((1, D), _FULL),
            pl.BlockSpec((D, D), _FULL),
            pl.BlockSpec((1, D), _FULL),
            pl.BlockSpec((1, D), _FULL),
        ],
        out_specs=_HEAD_OUT_SPECS,
        out_shape=_HEAD_OUT_SHAPE,
        scratch_shapes=[pltpu.SMEM((2,), jnp.float32)],
    )(num, den, b, W, al, ar)


def _merge_out(num, den, b):
    return pl.pallas_call(
        _merge_out_body,
        grid=(NPAD // BR,),
        in_specs=[
            pl.BlockSpec((2, BR, D), lambda i: (0, i, 0)),
            pl.BlockSpec((2, 1, BR), lambda i: (0, 0, i)),
            pl.BlockSpec((1, D), _FULL),
        ],
        out_specs=pl.BlockSpec((BR, D), lambda i: (i, 0)),
        out_shape=jax.ShapeDtypeStruct((NPAD, D), jnp.float32),
    )(num, den, b)



def _make_sc_edge(nb):

    @functools.partial(
        pl.kernel,
        out_type=(
            jax.ShapeDtypeStruct((2, NPAD, D), jnp.float32),
            jax.ShapeDtypeStruct((2, NPAD), jnp.float32),
        ),
        mesh=plsc.VectorSubcoreMesh(core_axis_name="c", subcore_axis_name="s"),
        compiler_params=pltpu.CompilerParams(needs_layout_passes=False),
        scratch_types=[
            pltpu.VMEM((EB,), jnp.int32),
            pltpu.VMEM((EB,), jnp.int32),
            pltpu.VMEM((EB,), jnp.float32),
            pltpu.VMEM((EB,), jnp.float32),
            pltpu.VMEM((16,), jnp.float32),
            pltpu.VMEM((EB, D), jnp.float32),
            pltpu.VMEM((EB,), jnp.float32),
            pltpu.VMEM_SHARED((NPAD, D), jnp.float32),
            pltpu.VMEM_SHARED((NPAD,), jnp.float32),
        ],
    )
    def sc_edge(feat_hbm, el_hbm, er_hbm, m_hbm, src_hbm, dst_hbm,
                num_hbm, den_hbm,
                src_v, dst_v, elg_v, erg_v, m_v, rows_v, w_v, num_sh, den_sh):
        c = lax.axis_index("c")
        s = lax.axis_index("s")
        g = c * 16 + s
        pltpu.sync_copy(m_hbm, m_v)

        zero16 = jnp.zeros((16,), jnp.float32)

        def _zr(i, carry):
            r = i // 8
            cc = i % 8
            rows_v[r, pl.ds(cc * 16, 16)] = zero16
            return carry

        lax.fori_loop(0, EB * 8, _zr, 0)

        roff = s * NROWS_T
        for k in range(NROWS_T // EB):
            pltpu.sync_copy(rows_v, num_sh.at[pl.ds(roff + k * EB, EB)])
            pltpu.sync_copy(rows_v.at[0], den_sh.at[pl.ds(roff + k * EB, EB)])
        plsc.subcore_barrier()

        m_vec = m_v[...]

        def _block(j, carry):
            pltpu.sync_copy(src_hbm.at[g, j], src_v)
            pltpu.sync_copy(dst_hbm.at[g, j], dst_v)
            pltpu.sync_copy(el_hbm.at[src_v], elg_v)
            pltpu.sync_copy(er_hbm.at[dst_v], erg_v)
            pltpu.sync_copy(feat_hbm.at[src_v], rows_v)

            def _grp(gi, cc):
                sl = pl.ds(gi * 16, 16)
                e = elg_v[sl] + erg_v[sl]
                e = jnp.where(e >= 0, e, 0.2 * e)
                w_v[sl] = jnp.exp(e - m_vec)
                return cc

            lax.fori_loop(0, 8, _grp, 0)

            def _scale(k, cc):
                kidx = jnp.full((16,), k, jnp.int32)
                wvec = plsc.load_gather(w_v, [kidx])
                for q in range(8):
                    sl = pl.ds(q * 16, 16)
                    rows_v[k, sl] = rows_v[k, sl] * wvec
                return cc

            lax.fori_loop(0, EB, _scale, 0)

            pltpu.sync_copy(rows_v, num_sh.at[dst_v], add=True)
            pltpu.sync_copy(w_v, den_sh.at[dst_v], add=True)
            return carry

        lax.fori_loop(0, nb, _block, 0)

        plsc.subcore_barrier()
        pltpu.sync_copy(num_sh.at[pl.ds(roff, NROWS_T)],
                        num_hbm.at[c, pl.ds(roff, NROWS_T)])
        pltpu.sync_copy(den_sh.at[pl.ds(roff, NROWS_T)],
                        den_hbm.at[c, pl.ds(roff, NROWS_T)])

    return sc_edge



def kernel(x, edge_index, W1, al1, ar1, b1, W2, al2, ar2, b2):
    nedges = edge_index.shape[1]
    nb = -(-nedges // (NTILES * EB))
    epad = NTILES * nb * EB
    src = edge_index[0].astype(jnp.int32)
    dst = edge_index[1].astype(jnp.int32)
    pad = jnp.full((epad - nedges,), NNODES, jnp.int32)
    src_t = jnp.concatenate([src, pad]).reshape(NTILES, nb, EB)
    dst_t = jnp.concatenate([dst, pad]).reshape(NTILES, nb, EB)
    xp = jnp.pad(x, ((0, NPAD - x.shape[0]), (0, 0)))

    al1r, ar1r = al1.reshape(1, D), ar1.reshape(1, D)
    al2r, ar2r = al2.reshape(1, D), ar2.reshape(1, D)
    b1r, b2r = b1.reshape(1, D), b2.reshape(1, D)

    sc_edge = _make_sc_edge(nb)

    feat1, el1, er1, m1 = _head(xp, W1, al1r, ar1r)
    num1, den1 = sc_edge(feat1, el1.reshape(NPAD), er1.reshape(NPAD),
                         m1.reshape(16), src_t, dst_t)
    feat2, el2, er2, m2 = _merge_head(num1, den1.reshape(2, 1, NPAD), b1r,
                                      W2, al2r, ar2r)
    num2, den2 = sc_edge(feat2, el2.reshape(NPAD), er2.reshape(NPAD),
                         m2.reshape(16), src_t, dst_t)
    out = _merge_out(num2, den2.reshape(2, 1, NPAD), b2r)
    return out[:NNODES]

# --- scband reference (transcript-rebuilt; emitter-appended) ---
"""Pipeline reference for scband-gatmodel-70162585748135 (READ-ONLY COPY).

The authoritative reference and input builder live on the scoring server;
editing this copy changes nothing except your own understanding.
"""

import jax, jax.numpy as jnp
import numpy as np

N = 10000
E = 320000
H = 1
D = 128
IN = 128


def setup_inputs(seed: int = 0) -> dict:
    key = jax.random.key(seed)
    ks = jax.random.split(key, 12)
    x = jax.random.normal(ks[0], (N, IN), dtype=jnp.float32)
    edge_index = jax.random.randint(ks[1], (2, E), 0, N)
    s1 = 1.0 / np.sqrt(IN)
    s2 = 1.0 / np.sqrt(H * D)
    W1 = jax.random.normal(ks[2], (IN, H * D), dtype=jnp.float32) * s1
    al1 = jax.random.normal(ks[3], (H, D), dtype=jnp.float32) * s2
    ar1 = jax.random.normal(ks[4], (H, D), dtype=jnp.float32) * s2
    b1 = jnp.zeros((H * D,), dtype=jnp.float32)
    W2 = jax.random.normal(ks[5], (H * D, H * D), dtype=jnp.float32) * s2
    al2 = jax.random.normal(ks[6], (H, D), dtype=jnp.float32) * s2
    ar2 = jax.random.normal(ks[7], (H, D), dtype=jnp.float32) * s2
    b2 = jnp.zeros((H * D,), dtype=jnp.float32)
    return {"x": x, "edge_index": edge_index, "W1": W1, "al1": al1, "ar1": ar1, "b1": b1,
            "W2": W2, "al2": al2, "ar2": ar2, "b2": b2}


def gat_layer(h, src, dst, W, al, ar, b):
    # DGL GATConv semantics: fc -> per-node attn halves -> leaky_relu on edges ->
    # edge softmax over incoming edges of dst -> weighted aggregation -> bias -> elu
    feat = (h @ W).reshape(N, H, D)
    el = jnp.sum(feat * al[None, :, :], axis=-1)  # [N, H]
    er = jnp.sum(feat * ar[None, :, :], axis=-1)  # [N, H]
    e = jax.nn.leaky_relu(el[src] + er[dst], negative_slope=0.2)  # [E, H]
    e_max = jax.ops.segment_max(e, dst, num_segments=N)  # [N, H]
    e_exp = jnp.exp(e - e_max[dst])
    denom = jax.ops.segment_sum(e_exp, dst, num_segments=N)  # [N, H]
    alpha = e_exp / denom[dst]  # [E, H]
    msg = feat[src] * alpha[:, :, None]  # [E, H, D]
    out = jax.ops.segment_sum(msg, dst, num_segments=N)  # [N, H, D]
    out = out + b.reshape(1, H, D)
    out = jax.nn.elu(out)
    return out.reshape(N, H * D)


def reference(x, edge_index, W1, al1, ar1, b1, W2, al2, ar2, b2):
    src = edge_index[0]
    dst = edge_index[1]
    h = gat_layer(x, src, dst, W1, al1, ar1, b1)
    h = gat_layer(h, src, dst, W2, al2, ar2, b2)
    return h

if __name__ == "__main__":
    import jax
    _d = setup_inputs()
    print(jax.jit(kernel)(*tuple(_d.values())))

</pallas_src>

<mosaic_0001>
#map = affine_map<(d0, d1) -> (0, 0)>
#map1 = affine_map<(d0, d1) -> (0)>
#map2 = affine_map<(d0, d1) -> (0, 0, 0)>
module attributes {stable_mosaic.version = 14 : i64} {
  func.func @sc_edge(%arg0: i32, %arg1: i32, %arg2: memref<10240x128xf32, #tpu.memory_space<hbm>>, %arg3: memref<10240xf32, #tpu.memory_space<hbm>>, %arg4: memref<10240xf32, #tpu.memory_space<hbm>>, %arg5: memref<16xf32, #tpu.memory_space<hbm>>, %arg6: memref<32x79x128xi32, #tpu.memory_space<hbm>>, %arg7: memref<32x79x128xi32, #tpu.memory_space<hbm>>, %arg8: memref<2x10240x128xf32, #tpu.memory_space<hbm>>, %arg9: memref<2x10240xf32, #tpu.memory_space<hbm>>, %arg10: memref<128xi32, #tpu.memory_space<vmem>>, %arg11: memref<128xi32, #tpu.memory_space<vmem>>, %arg12: memref<128xf32, #tpu.memory_space<vmem>>, %arg13: memref<128xf32, #tpu.memory_space<vmem>>, %arg14: memref<16xf32, #tpu.memory_space<vmem>>, %arg15: memref<128x128xf32, #tpu.memory_space<vmem>>, %arg16: memref<128xf32, #tpu.memory_space<vmem>>, %arg17: memref<10240x128xf32, #tpu.memory_space<vmem_shared>>, %arg18: memref<10240xf32, #tpu.memory_space<vmem_shared>>) attributes {dimension_semantics = [#tpu.dimension_semantics<core_parallel>, #tpu.dimension_semantics<subcore_parallel>], iteration_bounds = array<i64: 2, 16>, scalar_prefetch = 0 : i64, scratch_operands = 9 : i64, tpu.core_type = #tpu.core_type<sc_vector_subcore>, window_params = [{transform_indices = #map}, {transform_indices = #map1}, {transform_indices = #map1}, {transform_indices = #map1}, {transform_indices = #map2}, {transform_indices = #map2}, {transform_indices = #map2}, {transform_indices = #map}]} {
    %mul3A = arith.constant 16 : i32
    %mul3A_0 = arith.muli %arg0, %mul3A : i32
    %add3A = arith.addi %mul3A_0, %arg1 : i32
    "tpu.region"() ({
      %run_scoped3A_41 = tpu.sem_alloc : memref<!tpu.dma_semaphore, #tpu.memory_space<semaphore_mem>>
      tpu.enqueue_dma source(%arg5 : memref<16xf32, #tpu.memory_space<hbm>>) target(%arg14 : memref<16xf32, #tpu.memory_space<vmem>>) target_semaphore(%run_scoped3A_41 : memref<!tpu.dma_semaphore, #tpu.memory_space<semaphore_mem>>)
      tpu.wait_dma2 semaphore(%run_scoped3A_41 : memref<!tpu.dma_semaphore, #tpu.memory_space<semaphore_mem>>) src(%arg5 : memref<16xf32, #tpu.memory_space<hbm>>) dst(%arg14 : memref<16xf32, #tpu.memory_space<vmem>>)
      tpu.yield
    }) : () -> ()
    %broadcast_in_dim3A = arith.constant 0.000000e+00 : f32
    %broadcast_in_dim3A_1 = vector.broadcast %broadcast_in_dim3A : f32 to vector<16xf32>
    %scan3A = arith.constant 0 : i32
    %scan3A_2 = arith.constant 0 : i32
    %scan3A_3 = arith.constant 1024 : i32
    %scan3A_4 = arith.addi %scan3A_2, %scan3A_3 : i32
    %scan3A_5 = arith.constant 1 : i32
    scf.for %scan3A_41 = %scan3A_2 to %scan3A_4 step %scan3A_5  : i32 {
      %jit3A = arith.constant 8 : i32
      %div3A = arith.divsi %scan3A_41, %jit3A : i32
      %sign3A = arith.constant 0 : i32
      %sign3A_42 = arith.cmpi sgt, %scan3A_41, %sign3A : i32
      %sign3A_43 = arith.extui %sign3A_42 : i1 to i32
      %sign3A_44 = arith.constant 0 : i32
      %sign3A_45 = arith.cmpi slt, %scan3A_41, %sign3A_44 : i32
      %sign3A_46 = arith.extui %sign3A_45 : i1 to i32
      %sign3A_47 = arith.subi %sign3A_43, %sign3A_46 : i32
      %sign3A_48 = arith.constant 0 : i32
      %sign3A_49 = arith.cmpi sgt, %jit3A, %sign3A_48 : i32
      %sign3A_50 = arith.extui %sign3A_49 : i1 to i32
      %sign3A_51 = arith.constant 0 : i32
      %sign3A_52 = arith.cmpi slt, %jit3A, %sign3A_51 : i32
      %sign3A_53 = arith.extui %sign3A_52 : i1 to i32
      %sign3A_54 = arith.subi %sign3A_50, %sign3A_53 : i32
      %ne3A = arith.cmpi ne, %sign3A_47, %sign3A_54 : i32
      %rem3A = arith.remsi %scan3A_41, %jit3A : i32
      %ne3A_55 = arith.constant 0 : i32
      %ne3A_56 = arith.cmpi ne, %rem3A, %ne3A_55 : i32
      %and3A = arith.andi %ne3A, %ne3A_56 : i1
      %sub3A = arith.constant 1 : i32
      %sub3A_57 = arith.subi %div3A, %sub3A : i32
      %select_n3A = arith.select %and3A, %sub3A_57, %div3A : i32
      %jit3A_58 = arith.constant 8 : i32
      %eq3A = arith.constant 0 : i32
      %eq3A_59 = arith.cmpi eq, %jit3A_58, %eq3A : i32
      %jit3A_60 = arith.constant 1 : i32
      %select_n3A_61 = arith.select %eq3A_59, %jit3A_60, %jit3A_58 : i32
      %rem3A_62 = arith.remsi %scan3A_41, %select_n3A_61 : i32
      %ne3A_63 = arith.constant 0 : i32
      %ne3A_64 = arith.cmpi ne, %rem3A_62, %ne3A_63 : i32
      %lt3A = arith.constant 0 : i32
      %lt3A_65 = arith.cmpi slt, %rem3A_62, %lt3A : i32
      %lt3A_66 = arith.constant 0 : i32
      %lt3A_67 = arith.cmpi slt, %select_n3A_61, %lt3A_66 : i32
      %ne3A_68 = arith.xori %lt3A_65, %lt3A_67 : i1
      %and3A_69 = arith.andi %ne3A_68, %ne3A_64 : i1
      %add3A_70 = arith.addi %rem3A_62, %select_n3A_61 : i32
      %select_n3A_71 = arith.select %and3A_69, %add3A_70, %rem3A_62 : i32
      %mul3A_72 = arith.constant 16 : i32
      %mul3A_73 = arith.muli %select_n3A_71, %mul3A_72 : i32
      %swap3A = arith.index_cast %select_n3A : i32 to index
      %swap3A_74 = arith.index_cast %mul3A_73 : i32 to index
      %swap3A_75 = tpu.vector_load %arg15[%swap3A, %swap3A_74] {strides = array<i32>} : memref<128x128xf32, #tpu.memory_space<vmem>>, vector<16xf32>,
      tpu.vector_store %arg15[%swap3A, %swap3A_74], %broadcast_in_dim3A_1 {strides = array<i32>} : memref<128x128xf32, #tpu.memory_space<vmem>>, vector<16xf32>,
    }
    %scan3A_6 = arith.constant 1024 : i32
    %mul3A_7 = arith.constant 640 : i32
    %mul3A_8 = arith.muli %arg1, %mul3A_7 : i32
    %add3A_9 = arith.constant 0 : i32
    %add3A_10 = arith.addi %mul3A_8, %add3A_9 : i32
    "tpu.region"() ({
      %run_scoped3A_41 = tpu.sem_alloc : memref<!tpu.dma_semaphore, #tpu.memory_space<semaphore_mem>>
      %dma_start3A = arith.constant 0 : i32
      %dma_start3A_42 = tpu.memref_slice %arg17[%add3A_10, %dma_start3A] : memref<10240x128xf32, #tpu.memory_space<vmem_shared>> -> memref<128x128xf32, #tpu.memory_space<vmem_shared>>
      %dma_start3A_43 = arith.constant 0 : i32
      %dma_start3A_44 = tpu.memref_slice %arg17[%add3A_10, %dma_start3A_43] : memref<10240x128xf32, #tpu.memory_space<vmem_shared>> -> memref<128x128xf32, #tpu.memory_space<vmem_shared>>
      tpu.enqueue_dma source(%arg15 : memref<128x128xf32, #tpu.memory_space<vmem>>) target(%dma_start3A_44 : memref<128x128xf32, #tpu.memory_space<vmem_shared>>) target_semaphore(%run_scoped3A_41 : memref<!tpu.dma_semaphore, #tpu.memory_space<semaphore_mem>>)
      %dma_wait3A = arith.constant 0 : i32
      %dma_wait3A_45 = tpu.memref_slice %arg17[%add3A_10, %dma_wait3A] : memref<10240x128xf32, #tpu.memory_space<vmem_shared>> -> memref<128x128xf32, #tpu.memory_space<vmem_shared>>
      %dma_wait3A_46 = arith.constant 0 : i32
      %dma_wait3A_47 = tpu.memref_slice %arg17[%add3A_10, %dma_wait3A_46] : memref<10240x128xf32, #tpu.memory_space<vmem_shared>> -> memref<128x128xf32, #tpu.memory_space<vmem_shared>>
      tpu.wait_dma2 semaphore(%run_scoped3A_41 : memref<!tpu.dma_semaphore, #tpu.memory_space<semaphore_mem>>) src(%arg15 : memref<128x128xf32, #tpu.memory_space<vmem>>) dst(%dma_wait3A_47 : memref<128x128xf32, #tpu.memory_space<vmem_shared>>)
      tpu.yield
    }) : () -> ()
    %add3A_11 = arith.constant 0 : i32
    %add3A_12 = arith.addi %mul3A_8, %add3A_11 : i32
    %run_scoped3A = arith.constant 0 : i32
    "tpu.region"() ({
      %run_scoped3A_41 = tpu.sem_alloc : memref<!tpu.dma_semaphore, #tpu.memory_space<semaphore_mem>>
      %dma_start3A = arith.constant 0 : i32
      %dma_start3A_42 = tpu.memref_slice %arg15[%run_scoped3A, %dma_start3A] : memref<128x128xf32, #tpu.memory_space<vmem>> -> memref<1x128xf32, #tpu.memory_space<vmem>>
      %dma_start3A_43 = tpu.memref_squeeze %dma_start3A_42 : memref<1x128xf32, #tpu.memory_space<vmem>> -> memref<128xf32, #tpu.memory_space<vmem>>
      %dma_start3A_44 = tpu.memref_slice %arg18[%add3A_12] : memref<10240xf32, #tpu.memory_space<vmem_shared>> -> memref<128xf32, #tpu.memory_space<vmem_shared>>
      %dma_start3A_45 = tpu.memref_slice %arg18[%add3A_12] : memref<10240xf32, #tpu.memory_space<vmem_shared>> -> memref<128xf32, #tpu.memory_space<vmem_shared>>
      %dma_start3A_46 = arith.constant 0 : i32
      %dma_start3A_47 = tpu.memref_slice %arg15[%run_scoped3A, %dma_start3A_46] : memref<128x128xf32, #tpu.memory_space<vmem>> -> memref<1x128xf32, #tpu.memory_space<vmem>>
      %dma_start3A_48 = tpu.memref_squeeze %dma_start3A_47 : memref<1x128xf32, #tpu.memory_space<vmem>> -> memref<128xf32, #tpu.memory_space<vmem>>
      tpu.enqueue_dma source(%dma_start3A_48 : memref<128xf32, #tpu.memory_space<vmem>>) target(%dma_start3A_45 : memref<128xf32, #tpu.memory_space<vmem_shared>>) target_semaphore(%run_scoped3A_41 : memref<!tpu.dma_semaphore, #tpu.memory_space<semaphore_mem>>)
      %dma_wait3A = arith.constant 0 : i32
      %dma_wait3A_49 = tpu.memref_slice %arg15[%run_scoped3A, %dma_wait3A] : memref<128x128xf32, #tpu.memory_space<vmem>> -> memref<1x128xf32, #tpu.memory_space<vmem>>
      %dma_wait3A_50 = tpu.memref_squeeze %dma_wait3A_49 : memref<1x128xf32, #tpu.memory_space<vmem>> -> memref<128xf32, #tpu.memory_space<vmem>>
      %dma_wait3A_51 = tpu.memref_slice %arg18[%add3A_12] : memref<10240xf32, #tpu.memory_space<vmem_shared>> -> memref<128xf32, #tpu.memory_space<vmem_shared>>
      %dma_wait3A_52 = tpu.memref_slice %arg18[%add3A_12] : memref<10240xf32, #tpu.memory_space<vmem_shared>> -> memref<128xf32, #tpu.memory_space<vmem_shared>>
      %dma_wait3A_53 = arith.constant 0 : i32
      %dma_wait3A_54 = tpu.memref_slice %arg15[%run_scoped3A, %dma_wait3A_53] : memref<128x128xf32, #tpu.memory_space<vmem>> -> memref<1x128xf32, #tpu.memory_space<vmem>>
      %dma_wait3A_55 = tpu.memref_squeeze %dma_wait3A_54 : memref<1x128xf32, #tpu.memory_space<vmem>> -> memref<128xf32, #tpu.memory_space<vmem>>
      tpu.wait_dma2 semaphore(%run_scoped3A_41 : memref<!tpu.dma_semaphore, #tpu.memory_space<semaphore_mem>>) src(%dma_wait3A_55 : memref<128xf32, #tpu.memory_space<vmem>>) dst(%dma_wait3A_52 : memref<128xf32, #tpu.memory_space<vmem_shared>>)
      tpu.yield
    }) : () -> ()
    %add3A_13 = arith.constant 128 : i32
    %add3A_14 = arith.addi %mul3A_8, %add3A_13 : i32
    "tpu.region"() ({
      %run_scoped3A_41 = tpu.sem_alloc : memref<!tpu.dma_semaphore, #tpu.memory_space<semaphore_mem>>
      %dma_start3A = arith.constant 0 : i32
      %dma_start3A_42 = tpu.memref_slice %arg17[%add3A_14, %dma_start3A] : memref<10240x128xf32, #tpu.memory_space<vmem_shared>> -> memref<128x128xf32, #tpu.memory_space<vmem_shared>>
      %dma_start3A_43 = arith.constant 0 : i32
      %dma_start3A_44 = tpu.memref_slice %arg17[%add3A_14, %dma_start3A_43] : memref<10240x128xf32, #tpu.memory_space<vmem_shared>> -> memref<128x128xf32, #tpu.memory_space<vmem_shared>>
      tpu.enqueue_dma source(%arg15 : memref<128x128xf32, #tpu.memory_space<vmem>>) target(%dma_start3A_44 : memref<128x128xf32, #tpu.memory_space<vmem_shared>>) target_semaphore(%run_scoped3A_41 : memref<!tpu.dma_semaphore, #tpu.memory_space<semaphore_mem>>)
      %dma_wait3A = arith.constant 0 : i32
      %dma_wait3A_45 = tpu.memref_slice %arg17[%add3A_14, %dma_wait3A] : memref<10240x128xf32, #tpu.memory_space<vmem_shared>> -> memref<128x128xf32, #tpu.memory_space<vmem_shared>>
      %dma_wait3A_46 = arith.constant 0 : i32
      %dma_wait3A_47 = tpu.memref_slice %arg17[%add3A_14, %dma_wait3A_46] : memref<10240x128xf32, #tpu.memory_space<vmem_shared>> -> memref<128x128xf32, #tpu.memory_space<vmem_shared>>
      tpu.wait_dma2 semaphore(%run_scoped3A_41 : memref<!tpu.dma_semaphore, #tpu.memory_space<semaphore_mem>>) src(%arg15 : memref<128x128xf32, #tpu.memory_space<vmem>>) dst(%dma_wait3A_47 : memref<128x128xf32, #tpu.memory_space<vmem_shared>>)
      tpu.yield
    }) : () -> ()
    %add3A_15 = arith.constant 128 : i32
    %add3A_16 = arith.addi %mul3A_8, %add3A_15 : i32
    %run_scoped3A_17 = arith.constant 0 : i32
    "tpu.region"() ({
      %run_scoped3A_41 = tpu.sem_alloc : memref<!tpu.dma_semaphore, #tpu.memory_space<semaphore_mem>>
      %dma_start3A = arith.constant 0 : i32
      %dma_start3A_42 = tpu.memref_slice %arg15[%run_scoped3A_17, %dma_start3A] : memref<128x128xf32, #tpu.memory_space<vmem>> -> memref<1x128xf32, #tpu.memory_space<vmem>>
      %dma_start3A_43 = tpu.memref_squeeze %dma_start3A_42 : memref<1x128xf32, #tpu.memory_space<vmem>> -> memref<128xf32, #tpu.memory_space<vmem>>
      %dma_start3A_44 = tpu.memref_slice %arg18[%add3A_16] : memref<10240xf32, #tpu.memory_space<vmem_shared>> -> memref<128xf32, #tpu.memory_space<vmem_shared>>
      %dma_start3A_45 = tpu.memref_slice %arg18[%add3A_16] : memref<10240xf32, #tpu.memory_space<vmem_shared>> -> memref<128xf32, #tpu.memory_space<vmem_shared>>
      %dma_start3A_46 = arith.constant 0 : i32
      %dma_start3A_47 = tpu.memref_slice %arg15[%run_scoped3A_17, %dma_start3A_46] : memref<128x128xf32, #tpu.memory_space<vmem>> -> memref<1x128xf32, #tpu.memory_space<vmem>>
      %dma_start3A_48 = tpu.memref_squeeze %dma_start3A_47 : memref<1x128xf32, #tpu.memory_space<vmem>> -> memref<128xf32, #tpu.memory_space<vmem>>
      tpu.enqueue_dma source(%dma_start3A_48 : memref<128xf32, #tpu.memory_space<vmem>>) target(%dma_start3A_45 : memref<128xf32, #tpu.memory_space<vmem_shared>>) target_semaphore(%run_scoped3A_41 : memref<!tpu.dma_semaphore, #tpu.memory_space<semaphore_mem>>)
      %dma_wait3A = arith.constant 0 : i32
      %dma_wait3A_49 = tpu.memref_slice %arg15[%run_scoped3A_17, %dma_wait3A] : memref<128x128xf32, #tpu.memory_space<vmem>> -> memref<1x128xf32, #tpu.memory_space<vmem>>
      %dma_wait3A_50 = tpu.memref_squeeze %dma_wait3A_49 : memref<1x128xf32, #tpu.memory_space<vmem>> -> memref<128xf32, #tpu.memory_space<vmem>>
      %dma_wait3A_51 = tpu.memref_slice %arg18[%add3A_16] : memref<10240xf32, #tpu.memory_space<vmem_shared>> -> memref<128xf32, #tpu.memory_space<vmem_shared>>
      %dma_wait3A_52 = tpu.memref_slice %arg18[%add3A_16] : memref<10240xf32, #tpu.memory_space<vmem_shared>> -> memref<128xf32, #tpu.memory_space<vmem_shared>>
      %dma_wait3A_53 = arith.constant 0 : i32
      %dma_wait3A_54 = tpu.memref_slice %arg15[%run_scoped3A_17, %dma_wait3A_53] : memref<128x128xf32, #tpu.memory_space<vmem>> -> memref<1x128xf32, #tpu.memory_space<vmem>>
      %dma_wait3A_55 = tpu.memref_squeeze %dma_wait3A_54 : memref<1x128xf32, #tpu.memory_space<vmem>> -> memref<128xf32, #tpu.memory_space<vmem>>
      tpu.wait_dma2 semaphore(%run_scoped3A_41 : memref<!tpu.dma_semaphore, #tpu.memory_space<semaphore_mem>>) src(%dma_wait3A_55 : memref<128xf32, #tpu.memory_space<vmem>>) dst(%dma_wait3A_52 : memref<128xf32, #tpu.memory_space<vmem_shared>>)
      tpu.yield
    }) : () -> ()
    %add3A_18 = arith.constant 256 : i32
    %add3A_19 = arith.addi %mul3A_8, %add3A_18 : i32
    "tpu.region"() ({
      %run_scoped3A_41 = tpu.sem_alloc : memref<!tpu.dma_semaphore, #tpu.memory_space<semaphore_mem>>
      %dma_start3A = arith.constant 0 : i32
      %dma_start3A_42 = tpu.memref_slice %arg17[%add3A_19, %dma_start3A] : memref<10240x128xf32, #tpu.memory_space<vmem_shared>> -> memref<128x128xf32, #tpu.memory_space<vmem_shared>>
      %dma_start3A_43 = arith.constant 0 : i32
      %dma_start3A_44 = tpu.memref_slice %arg17[%add3A_19, %dma_start3A_43] : memref<10240x128xf32, #tpu.memory_space<vmem_shared>> -> memref<128x128xf32, #tpu.memory_space<vmem_shared>>
      tpu.enqueue_dma source(%arg15 : memref<128x128xf32, #tpu.memory_space<vmem>>) target(%dma_start3A_44 : memref<128x128xf32, #tpu.memory_space<vmem_shared>>) target_semaphore(%run_scoped3A_41 : memref<!tpu.dma_semaphore, #tpu.memory_space<semaphore_mem>>)
      %dma_wait3A = arith.constant 0 : i32
      %dma_wait3A_45 = tpu.memref_slice %arg17[%add3A_19, %dma_wait3A] : memref<10240x128xf32, #tpu.memory_space<vmem_shared>> -> memref<128x128xf32, #tpu.memory_space<vmem_shared>>
      %dma_wait3A_46 = arith.constant 0 : i32
      %dma_wait3A_47 = tpu.memref_slice %arg17[%add3A_19, %dma_wait3A_46] : memref<10240x128xf32, #tpu.memory_space<vmem_shared>> -> memref<128x128xf32, #tpu.memory_space<vmem_shared>>
      tpu.wait_dma2 semaphore(%run_scoped3A_41 : memref<!tpu.dma_semaphore, #tpu.memory_space<semaphore_mem>>) src(%arg15 : memref<128x128xf32, #tpu.memory_space<vmem>>) dst(%dma_wait3A_47 : memref<128x128xf32, #tpu.memory_space<vmem_shared>>)
      tpu.yield
    }) : () -> ()
    %add3A_20 = arith.constant 256 : i32
    %add3A_21 = arith.addi %mul3A_8, %add3A_20 : i32
    %run_scoped3A_22 = arith.constant 0 : i32
    "tpu.region"() ({
      %run_scoped3A_41 = tpu.sem_alloc : memref<!tpu.dma_semaphore, #tpu.memory_space<semaphore_mem>>
      %dma_start3A = arith.constant 0 : i32
      %dma_start3A_42 = tpu.memref_slice %arg15[%run_scoped3A_22, %dma_start3A] : memref<128x128xf32, #tpu.memory_space<vmem>> -> memref<1x128xf32, #tpu.memory_space<vmem>>
      %dma_start3A_43 = tpu.memref_squeeze %dma_start3A_42 : memref<1x128xf32, #tpu.memory_space<vmem>> -> memref<128xf32, #tpu.memory_space<vmem>>
      %dma_start3A_44 = tpu.memref_slice %arg18[%add3A_21] : memref<10240xf32, #tpu.memory_space<vmem_shared>> -> memref<128xf32, #tpu.memory_space<vmem_shared>>
      %dma_start3A_45 = tpu.memref_slice %arg18[%add3A_21] : memref<10240xf32, #tpu.memory_space<vmem_shared>> -> memref<128xf32, #tpu.memory_space<vmem_shared>>
      %dma_start3A_46 = arith.constant 0 : i32
      %dma_start3A_47 = tpu.memref_slice %arg15[%run_scoped3A_22, %dma_start3A_46] : memref<128x128xf32, #tpu.memory_space<vmem>> -> memref<1x128xf32, #tpu.memory_space<vmem>>
      %dma_start3A_48 = tpu.memref_squeeze %dma_start3A_47 : memref<1x128xf32, #tpu.memory_space<vmem>> -> memref<128xf32, #tpu.memory_space<vmem>>
      tpu.enqueue_dma source(%dma_start3A_48 : memref<128xf32, #tpu.memory_space<vmem>>) target(%dma_start3A_45 : memref<128xf32, #tpu.memory_space<vmem_shared>>) target_semaphore(%run_scoped3A_41 : memref<!tpu.dma_semaphore, #tpu.memory_space<semaphore_mem>>)
      %dma_wait3A = arith.constant 0 : i32
      %dma_wait3A_49 = tpu.memref_slice %arg15[%run_scoped3A_22, %dma_wait3A] : memref<128x128xf32, #tpu.memory_space<vmem>> -> memref<1x128xf32, #tpu.memory_space<vmem>>
      %dma_wait3A_50 = tpu.memref_squeeze %dma_wait3A_49 : memref<1x128xf32, #tpu.memory_space<vmem>> -> memref<128xf32, #tpu.memory_space<vmem>>
      %dma_wait3A_51 = tpu.memref_slice %arg18[%add3A_21] : memref<10240xf32, #tpu.memory_space<vmem_shared>> -> memref<128xf32, #tpu.memory_space<vmem_shared>>
      %dma_wait3A_52 = tpu.memref_slice %arg18[%add3A_21] : memref<10240xf32, #tpu.memory_space<vmem_shared>> -> memref<128xf32, #tpu.memory_space<vmem_shared>>
      %dma_wait3A_53 = arith.constant 0 : i32
      %dma_wait3A_54 = tpu.memref_slice %arg15[%run_scoped3A_22, %dma_wait3A_53] : memref<128x128xf32, #tpu.memory_space<vmem>> -> memref<1x128xf32, #tpu.memory_space<vmem>>
      %dma_wait3A_55 = tpu.memref_squeeze %dma_wait3A_54 : memref<1x128xf32, #tpu.memory_space<vmem>> -> memref<128xf32, #tpu.memory_space<vmem>>
      tpu.wait_dma2 semaphore(%run_scoped3A_41 : memref<!tpu.dma_semaphore, #tpu.memory_space<semaphore_mem>>) src(%dma_wait3A_55 : memref<128xf32, #tpu.memory_space<vmem>>) dst(%dma_wait3A_52 : memref<128xf32, #tpu.memory_space<vmem_shared>>)
      tpu.yield
    }) : () -> ()
    %add3A_23 = arith.constant 384 : i32
    %add3A_24 = arith.addi %mul3A_8, %add3A_23 : i32
    "tpu.region"() ({
      %run_scoped3A_41 = tpu.sem_alloc : memref<!tpu.dma_semaphore, #tpu.memory_space<semaphore_mem>>
      %dma_start3A = arith.constant 0 : i32
      %dma_start3A_42 = tpu.memref_slice %arg17[%add3A_24, %dma_start3A] : memref<10240x128xf32, #tpu.memory_space<vmem_shared>> -> memref<128x128xf32, #tpu.memory_space<vmem_shared>>
      %dma_start3A_43 = arith.constant 0 : i32
      %dma_start3A_44 = tpu.memref_slice %arg17[%add3A_24, %dma_start3A_43] : memref<10240x128xf32, #tpu.memory_space<vmem_shared>> -> memref<128x128xf32, #tpu.memory_space<vmem_shared>>
      tpu.enqueue_dma source(%arg15 : memref<128x128xf32, #tpu.memory_space<vmem>>) target(%dma_start3A_44 : memref<128x128xf32, #tpu.memory_space<vmem_shared>>) target_semaphore(%run_scoped3A_41 : memref<!tpu.dma_semaphore, #tpu.memory_space<semaphore_mem>>)
      %dma_wait3A = arith.constant 0 : i32
      %dma_wait3A_45 = tpu.memref_slice %arg17[%add3A_24, %dma_wait3A] : memref<10240x128xf32, #tpu.memory_space<vmem_shared>> -> memref<128x128xf32, #tpu.memory_space<vmem_shared>>
      %dma_wait3A_46 = arith.constant 0 : i32
      %dma_wait3A_47 = tpu.memref_slice %arg17[%add3A_24, %dma_wait3A_46] : memref<10240x128xf32, #tpu.memory_space<vmem_shared>> -> memref<128x128xf32, #tpu.memory_space<vmem_shared>>
      tpu.wait_dma2 semaphore(%run_scoped3A_41 : memref<!tpu.dma_semaphore, #tpu.memory_space<semaphore_mem>>) src(%arg15 : memref<128x128xf32, #tpu.memory_space<vmem>>) dst(%dma_wait3A_47 : memref<128x128xf32, #tpu.memory_space<vmem_shared>>)
      tpu.yield
    }) : () -> ()
    %add3A_25 = arith.constant 384 : i32
    %add3A_26 = arith.addi %mul3A_8, %add3A_25 : i32
    %run_scoped3A_27 = arith.constant 0 : i32
    "tpu.region"() ({
      %run_scoped3A_41 = tpu.sem_alloc : memref<!tpu.dma_semaphore, #tpu.memory_space<semaphore_mem>>
      %dma_start3A = arith.constant 0 : i32
      %dma_start3A_42 = tpu.memref_slice %arg15[%run_scoped3A_27, %dma_start3A] : memref<128x128xf32, #tpu.memory_space<vmem>> -> memref<1x128xf32, #tpu.memory_space<vmem>>
      %dma_start3A_43 = tpu.memref_squeeze %dma_start3A_42 : memref<1x128xf32, #tpu.memory_space<vmem>> -> memref<128xf32, #tpu.memory_space<vmem>>
      %dma_start3A_44 = tpu.memref_slice %arg18[%add3A_26] : memref<10240xf32, #tpu.memory_space<vmem_shared>> -> memref<128xf32, #tpu.memory_space<vmem_shared>>
      %dma_start3A_45 = tpu.memref_slice %arg18[%add3A_26] : memref<10240xf32, #tpu.memory_space<vmem_shared>> -> memref<128xf32, #tpu.memory_space<vmem_shared>>
      %dma_start3A_46 = arith.constant 0 : i32
      %dma_start3A_47 = tpu.memref_slice %arg15[%run_scoped3A_27, %dma_start3A_46] : memref<128x128xf32, #tpu.memory_space<vmem>> -> memref<1x128xf32, #tpu.memory_space<vmem>>
      %dma_start3A_48 = tpu.memref_squeeze %dma_start3A_47 : memref<1x128xf32, #tpu.memory_space<vmem>> -> memref<128xf32, #tpu.memory_space<vmem>>
      tpu.enqueue_dma source(%dma_start3A_48 : memref<128xf32, #tpu.memory_space<vmem>>) target(%dma_start3A_45 : memref<128xf32, #tpu.memory_space<vmem_shared>>) target_semaphore(%run_scoped3A_41 : memref<!tpu.dma_semaphore, #tpu.memory_space<semaphore_mem>>)
      %dma_wait3A = arith.constant 0 : i32
      %dma_wait3A_49 = tpu.memref_slice %arg15[%run_scoped3A_27, %dma_wait3A] : memref<128x128xf32, #tpu.memory_space<vmem>> -> memref<1x128xf32, #tpu.memory_space<vmem>>
      %dma_wait3A_50 = tpu.memref_squeeze %dma_wait3A_49 : memref<1x128xf32, #tpu.memory_space<vmem>> -> memref<128xf32, #tpu.memory_space<vmem>>
      %dma_wait3A_51 = tpu.memref_slice %arg18[%add3A_26] : memref<10240xf32, #tpu.memory_space<vmem_shared>> -> memref<128xf32, #tpu.memory_space<vmem_shared>>
      %dma_wait3A_52 = tpu.memref_slice %arg18[%add3A_26] : memref<10240xf32, #tpu.memory_space<vmem_shared>> -> memref<128xf32, #tpu.memory_space<vmem_shared>>
      %dma_wait3A_53 = arith.constant 0 : i32
      %dma_wait3A_54 = tpu.memref_slice %arg15[%run_scoped3A_27, %dma_wait3A_53] : memref<128x128xf32, #tpu.memory_space<vmem>> -> memref<1x128xf32, #tpu.memory_space<vmem>>
      %dma_wait3A_55 = tpu.memref_squeeze %dma_wait3A_54 : memref<1x128xf32, #tpu.memory_space<vmem>> -> memref<128xf32, #tpu.memory_space<vmem>>
      tpu.wait_dma2 semaphore(%run_scoped3A_41 : memref<!tpu.dma_semaphore, #tpu.memory_space<semaphore_mem>>) src(%dma_wait3A_55 : memref<128xf32, #tpu.memory_space<vmem>>) dst(%dma_wait3A_52 : memref<128xf32, #tpu.memory_space<vmem_shared>>)
      tpu.yield
    }) : () -> ()
    %add3A_28 = arith.constant 512 : i32
    %add3A_29 = arith.addi %mul3A_8, %add3A_28 : i32
    "tpu.region"() ({
      %run_scoped3A_41 = tpu.sem_alloc : memref<!tpu.dma_semaphore, #tpu.memory_space<semaphore_mem>>
      %dma_start3A = arith.constant 0 : i32
      %dma_start3A_42 = tpu.memref_slice %arg17[%add3A_29, %dma_start3A] : memref<10240x128xf32, #tpu.memory_space<vmem_shared>> -> memref<128x128xf32, #tpu.memory_space<vmem_shared>>
      %dma_start3A_43 = arith.constant 0 : i32
      %dma_start3A_44 = tpu.memref_slice %arg17[%add3A_29, %dma_start3A_43] : memref<10240x128xf32, #tpu.memory_space<vmem_shared>> -> memref<128x128xf32, #tpu.memory_space<vmem_shared>>
      tpu.enqueue_dma source(%arg15 : memref<128x128xf32, #tpu.memory_space<vmem>>) target(%dma_start3A_44 : memref<128x128xf32, #tpu.memory_space<vmem_shared>>) target_semaphore(%run_scoped3A_41 : memref<!tpu.dma_semaphore, #tpu.memory_space<semaphore_mem>>)
      %dma_wait3A = arith.constant 0 : i32
      %dma_wait3A_45 = tpu.memref_slice %arg17[%add3A_29, %dma_wait3A] : memref<10240x128xf32, #tpu.memory_space<vmem_shared>> -> memref<128x128xf32, #tpu.memory_space<vmem_shared>>
      %dma_wait3A_46 = arith.constant 0 : i32
      %dma_wait3A_47 = tpu.memref_slice %arg17[%add3A_29, %dma_wait3A_46] : memref<10240x128xf32, #tpu.memory_space<vmem_shared>> -> memref<128x128xf32, #tpu.memory_space<vmem_shared>>
      tpu.wait_dma2 semaphore(%run_scoped3A_41 : memref<!tpu.dma_semaphore, #tpu.memory_space<semaphore_mem>>) src(%arg15 : memref<128x128xf32, #tpu.memory_space<vmem>>) dst(%dma_wait3A_47 : memref<128x128xf32, #tpu.memory_space<vmem_shared>>)
      tpu.yield
    }) : () -> ()
    %add3A_30 = arith.constant 512 : i32
    %add3A_31 = arith.addi %mul3A_8, %add3A_30 : i32
    %run_scoped3A_32 = arith.constant 0 : i32
    "tpu.region"() ({
      %run_scoped3A_41 = tpu.sem_alloc : memref<!tpu.dma_semaphore, #tpu.memory_space<semaphore_mem>>
      %dma_start3A = arith.constant 0 : i32
      %dma_start3A_42 = tpu.memref_slice %arg15[%run_scoped3A_32, %dma_start3A] : memref<128x128xf32, #tpu.memory_space<vmem>> -> memref<1x128xf32, #tpu.memory_space<vmem>>
      %dma_start3A_43 = tpu.memref_squeeze %dma_start3A_42 : memref<1x128xf32, #tpu.memory_space<vmem>> -> memref<128xf32, #tpu.memory_space<vmem>>
      %dma_start3A_44 = tpu.memref_slice %arg18[%add3A_31] : memref<10240xf32, #tpu.memory_space<vmem_shared>> -> memref<128xf32, #tpu.memory_space<vmem_shared>>
      %dma_start3A_45 = tpu.memref_slice %arg18[%add3A_31] : memref<10240xf32, #tpu.memory_space<vmem_shared>> -> memref<128xf32, #tpu.memory_space<vmem_shared>>
      %dma_start3A_46 = arith.constant 0 : i32
      %dma_start3A_47 = tpu.memref_slice %arg15[%run_scoped3A_32, %dma_start3A_46] : memref<128x128xf32, #tpu.memory_space<vmem>> -> memref<1x128xf32, #tpu.memory_space<vmem>>
      %dma_start3A_48 = tpu.memref_squeeze %dma_start3A_47 : memref<1x128xf32, #tpu.memory_space<vmem>> -> memref<128xf32, #tpu.memory_space<vmem>>
      tpu.enqueue_dma source(%dma_start3A_48 : memref<128xf32, #tpu.memory_space<vmem>>) target(%dma_start3A_45 : memref<128xf32, #tpu.memory_space<vmem_shared>>) target_semaphore(%run_scoped3A_41 : memref<!tpu.dma_semaphore, #tpu.memory_space<semaphore_mem>>)
      %dma_wait3A = arith.constant 0 : i32
      %dma_wait3A_49 = tpu.memref_slice %arg15[%run_scoped3A_32, %dma_wait3A] : memref<128x128xf32, #tpu.memory_space<vmem>> -> memref<1x128xf32, #tpu.memory_space<vmem>>
      %dma_wait3A_50 = tpu.memref_squeeze %dma_wait3A_49 : memref<1x128xf32, #tpu.memory_space<vmem>> -> memref<128xf32, #tpu.memory_space<vmem>>
      %dma_wait3A_51 = tpu.memref_slice %arg18[%add3A_31] : memref<10240xf32, #tpu.memory_space<vmem_shared>> -> memref<128xf32, #tpu.memory_space<vmem_shared>>
      %dma_wait3A_52 = tpu.memref_slice %arg18[%add3A_31] : memref<10240xf32, #tpu.memory_space<vmem_shared>> -> memref<128xf32, #tpu.memory_space<vmem_shared>>
      %dma_wait3A_53 = arith.constant 0 : i32
      %dma_wait3A_54 = tpu.memref_slice %arg15[%run_scoped3A_32, %dma_wait3A_53] : memref<128x128xf32, #tpu.memory_space<vmem>> -> memref<1x128xf32, #tpu.memory_space<vmem>>
      %dma_wait3A_55 = tpu.memref_squeeze %dma_wait3A_54 : memref<1x128xf32, #tpu.memory_space<vmem>> -> memref<128xf32, #tpu.memory_space<vmem>>
      tpu.wait_dma2 semaphore(%run_scoped3A_41 : memref<!tpu.dma_semaphore, #tpu.memory_space<semaphore_mem>>) src(%dma_wait3A_55 : memref<128xf32, #tpu.memory_space<vmem>>) dst(%dma_wait3A_52 : memref<128xf32, #tpu.memory_space<vmem_shared>>)
      tpu.yield
    }) : () -> ()
    %barrier3A = arith.constant 0 : index
    tpu.barrier barrier_id(%barrier3A)
    %get3A = arith.constant 0 : index
    %get3A_33 = tpu.vector_load %arg14[%get3A] {strides = array<i32>} : memref<16xf32, #tpu.memory_space<vmem>>, vector<16xf32>,
    %scan3A_34 = arith.constant 0 : i32
    %scan3A_35 = arith.constant 0 : i32
    %scan3A_36 = arith.constant 79 : i32
    %scan3A_37 = arith.addi %scan3A_35, %scan3A_36 : i32
    %scan3A_38 = arith.constant 1 : i32
    scf.for %scan3A_41 = %scan3A_35 to %scan3A_37 step %scan3A_38  : i32 {
      "tpu.region"() ({
        %run_scoped3A_54 = tpu.sem_alloc : memref<!tpu.dma_semaphore, #tpu.memory_space<semaphore_mem>>
        %dma_start3A = arith.constant 0 : i32
        %dma_start3A_55 = tpu.memref_slice %arg6[%add3A, %scan3A_41, %dma_start3A] : memref<32x79x128xi32, #tpu.memory_space<hbm>> -> memref<1x1x128xi32, #tpu.memory_space<hbm>>
        %dma_start3A_56 = tpu.memref_squeeze %dma_start3A_55 : memref<1x1x128xi32, #tpu.memory_space<hbm>> -> memref<128xi32, #tpu.memory_space<hbm>>
        %dma_start3A_57 = arith.constant 0 : i32
        %dma_start3A_58 = tpu.memref_slice %arg6[%add3A, %scan3A_41, %dma_start3A_57] : memref<32x79x128xi32, #tpu.memory_space<hbm>> -> memref<1x1x128xi32, #tpu.memory_space<hbm>>
        %dma_start3A_59 = tpu.memref_squeeze %dma_start3A_58 : memref<1x1x128xi32, #tpu.memory_space<hbm>> -> memref<128xi32, #tpu.memory_space<hbm>>
        tpu.enqueue_dma source(%dma_start3A_59 : memref<128xi32, #tpu.memory_space<hbm>>) target(%arg10 : memref<128xi32, #tpu.memory_space<vmem>>) target_semaphore(%run_scoped3A_54 : memref<!tpu.dma_semaphore, #tpu.memory_space<semaphore_mem>>)
        %dma_wait3A = arith.constant 0 : i32
        %dma_wait3A_60 = tpu.memref_slice %arg6[%add3A, %scan3A_41, %dma_wait3A] : memref<32x79x128xi32, #tpu.memory_space<hbm>> -> memref<1x1x128xi32, #tpu.memory_space<hbm>>
        %dma_wait3A_61 = tpu.memref_squeeze %dma_wait3A_60 : memref<1x1x128xi32, #tpu.memory_space<hbm>> -> memref<128xi32, #tpu.memory_space<hbm>>
        %dma_wait3A_62 = arith.constant 0 : i32
        %dma_wait3A_63 = tpu.memref_slice %arg6[%add3A, %scan3A_41, %dma_wait3A_62] : memref<32x79x128xi32, #tpu.memory_space<hbm>> -> memref<1x1x128xi32, #tpu.memory_space<hbm>>
        %dma_wait3A_64 = tpu.memref_squeeze %dma_wait3A_63 : memref<1x1x128xi32, #tpu.memory_space<hbm>> -> memref<128xi32, #tpu.memory_space<hbm>>
        tpu.wait_dma2 semaphore(%run_scoped3A_54 : memref<!tpu.dma_semaphore, #tpu.memory_space<semaphore_mem>>) src(%dma_wait3A_64 : memref<128xi32, #tpu.memory_space<hbm>>) dst(%arg10 : memref<128xi32, #tpu.memory_space<vmem>>)
        tpu.yield
      }) : () -> ()
      "tpu.region"() ({
        %run_scoped3A_54 = tpu.sem_alloc : memref<!tpu.dma_semaphore, #tpu.memory_space<semaphore_mem>>
        %dma_start3A = arith.constant 0 : i32
        %dma_start3A_55 = tpu.memref_slice %arg7[%add3A, %scan3A_41, %dma_start3A] : memref<32x79x128xi32, #tpu.memory_space<hbm>> -> memref<1x1x128xi32, #tpu.memory_space<hbm>>
        %dma_start3A_56 = tpu.memref_squeeze %dma_start3A_55 : memref<1x1x128xi32, #tpu.memory_space<hbm>> -> memref<128xi32, #tpu.memory_space<hbm>>
        %dma_start3A_57 = arith.constant 0 : i32
        %dma_start3A_58 = tpu.memref_slice %arg7[%add3A, %scan3A_41, %dma_start3A_57] : memref<32x79x128xi32, #tpu.memory_space<hbm>> -> memref<1x1x128xi32, #tpu.memory_space<hbm>>
        %dma_start3A_59 = tpu.memref_squeeze %dma_start3A_58 : memref<1x1x128xi32, #tpu.memory_space<hbm>> -> memref<128xi32, #tpu.memory_space<hbm>>
        tpu.enqueue_dma source(%dma_start3A_59 : memref<128xi32, #tpu.memory_space<hbm>>) target(%arg11 : memref<128xi32, #tpu.memory_space<vmem>>) target_semaphore(%run_scoped3A_54 : memref<!tpu.dma_semaphore, #tpu.memory_space<semaphore_mem>>)
        %dma_wait3A = arith.constant 0 : i32
        %dma_wait3A_60 = tpu.memref_slice %arg7[%add3A, %scan3A_41, %dma_wait3A] : memref<32x79x128xi32, #tpu.memory_space<hbm>> -> memref<1x1x128xi32, #tpu.memory_space<hbm>>
        %dma_wait3A_61 = tpu.memref_squeeze %dma_wait3A_60 : memref<1x1x128xi32, #tpu.memory_space<hbm>> -> memref<128xi32, #tpu.memory_space<hbm>>
        %dma_wait3A_62 = arith.constant 0 : i32
        %dma_wait3A_63 = tpu.memref_slice %arg7[%add3A, %scan3A_41, %dma_wait3A_62] : memref<32x79x128xi32, #tpu.memory_space<hbm>> -> memref<1x1x128xi32, #tpu.memory_space<hbm>>
        %dma_wait3A_64 = tpu.memref_squeeze %dma_wait3A_63 : memref<1x1x128xi32, #tpu.memory_space<hbm>> -> memref<128xi32, #tpu.memory_space<hbm>>
        tpu.wait_dma2 semaphore(%run_scoped3A_54 : memref<!tpu.dma_semaphore, #tpu.memory_space<semaphore_mem>>) src(%dma_wait3A_64 : memref<128xi32, #tpu.memory_space<hbm>>) dst(%arg11 : memref<128xi32, #tpu.memory_space<vmem>>)
        tpu.yield
      }) : () -> ()
      "tpu.region"() ({
        %run_scoped3A_54 = tpu.sem_alloc : memref<!tpu.dma_semaphore, #tpu.memory_space<semaphore_mem>>
        %dma_start3A = arith.constant 0 : i32
        %dma_start3A_55 = tpu.memref_slice %arg3[%dma_start3A] : memref<10240xf32, #tpu.memory_space<hbm>> -> memref<10240xf32, #tpu.memory_space<hbm>>
        tpu.enqueue_indirect_dma source(%dma_start3A_55 : memref<10240xf32, #tpu.memory_space<hbm>>) target(%arg12 : memref<128xf32, #tpu.memory_space<vmem>>) offsets(%arg10 : memref<128xi32, #tpu.memory_space<vmem>>) semaphore(%run_scoped3A_54 : memref<!tpu.dma_semaphore, #tpu.memory_space<semaphore_mem>>)
        %dma_wait3A = arith.constant 0 : i32
        %dma_wait3A_56 = tpu.memref_slice %arg3[%dma_wait3A] : memref<10240xf32, #tpu.memory_space<hbm>> -> memref<10240xf32, #tpu.memory_space<hbm>>
        tpu.wait_indirect_dma semaphore(%run_scoped3A_54 : memref<!tpu.dma_semaphore, #tpu.memory_space<semaphore_mem>>) src(%dma_wait3A_56 : memref<10240xf32, #tpu.memory_space<hbm>>) dst(%arg12 : memref<128xf32, #tpu.memory_space<vmem>>)
        tpu.yield
      }) : () -> ()
      "tpu.region"() ({
        %run_scoped3A_54 = tpu.sem_alloc : memref<!tpu.dma_semaphore, #tpu.memory_space<semaphore_mem>>
        %dma_start3A = arith.constant 0 : i32
        %dma_start3A_55 = tpu.memref_slice %arg4[%dma_start3A] : memref<10240xf32, #tpu.memory_space<hbm>> -> memref<10240xf32, #tpu.memory_space<hbm>>
        tpu.enqueue_indirect_dma source(%dma_start3A_55 : memref<10240xf32, #tpu.memory_space<hbm>>) target(%arg13 : memref<128xf32, #tpu.memory_space<vmem>>) offsets(%arg11 : memref<128xi32, #tpu.memory_space<vmem>>) semaphore(%run_scoped3A_54 : memref<!tpu.dma_semaphore, #tpu.memory_space<semaphore_mem>>)
        %dma_wait3A = arith.constant 0 : i32
        %dma_wait3A_56 = tpu.memref_slice %arg4[%dma_wait3A] : memref<10240xf32, #tpu.memory_space<hbm>> -> memref<10240xf32, #tpu.memory_space<hbm>>
        tpu.wait_indirect_dma semaphore(%run_scoped3A_54 : memref<!tpu.dma_semaphore, #tpu.memory_space<semaphore_mem>>) src(%dma_wait3A_56 : memref<10240xf32, #tpu.memory_space<hbm>>) dst(%arg13 : memref<128xf32, #tpu.memory_space<vmem>>)
        tpu.yield
      }) : () -> ()
      "tpu.region"() ({
        %run_scoped3A_54 = tpu.sem_alloc : memref<!tpu.dma_semaphore, #tpu.memory_space<semaphore_mem>>
        %dma_start3A = arith.constant 0 : i32
        %dma_start3A_55 = arith.constant 0 : i32
        %dma_start3A_56 = tpu.memref_slice %arg2[%dma_start3A, %dma_start3A_55] : memref<10240x128xf32, #tpu.memory_space<hbm>> -> memref<10240x128xf32, #tpu.memory_space<hbm>>
        tpu.enqueue_indirect_dma source(%dma_start3A_56 : memref<10240x128xf32, #tpu.memory_space<hbm>>) target(%arg15 : memref<128x128xf32, #tpu.memory_space<vmem>>) offsets(%arg10 : memref<128xi32, #tpu.memory_space<vmem>>) semaphore(%run_scoped3A_54 : memref<!tpu.dma_semaphore, #tpu.memory_space<semaphore_mem>>)
        %dma_wait3A = arith.constant 0 : i32
        %dma_wait3A_57 = arith.constant 0 : i32
        %dma_wait3A_58 = tpu.memref_slice %arg2[%dma_wait3A, %dma_wait3A_57] : memref<10240x128xf32, #tpu.memory_space<hbm>> -> memref<10240x128xf32, #tpu.memory_space<hbm>>
        tpu.wait_indirect_dma semaphore(%run_scoped3A_54 : memref<!tpu.dma_semaphore, #tpu.memory_space<semaphore_mem>>) src(%dma_wait3A_58 : memref<10240x128xf32, #tpu.memory_space<hbm>>) dst(%arg15 : memref<128x128xf32, #tpu.memory_space<vmem>>)
        tpu.yield
      }) : () -> ()
      %scan3A_42 = arith.constant 0 : i32
      %scan3A_43 = arith.constant 0 : i32
      %scan3A_44 = arith.constant 8 : i32
      %scan3A_45 = arith.addi %scan3A_43, %scan3A_44 : i32
      %scan3A_46 = arith.constant 1 : i32
      scf.for %scan3A_54 = %scan3A_43 to %scan3A_45 step %scan3A_46  : i32 {
        %mul3A_55 = arith.constant 16 : i32
        %mul3A_56 = arith.muli %scan3A_54, %mul3A_55 : i32
        %get3A_57 = arith.index_cast %mul3A_56 : i32 to index
        %get3A_58 = tpu.vector_load %arg12[%get3A_57] {strides = array<i32>} : memref<128xf32, #tpu.memory_space<vmem>>, vector<16xf32>,
        %get3A_59 = arith.index_cast %mul3A_56 : i32 to index
        %get3A_60 = tpu.vector_load %arg13[%get3A_59] {strides = array<i32>} : memref<128xf32, #tpu.memory_space<vmem>>, vector<16xf32>,
        %add3A_61 = arith.addf %get3A_58, %get3A_60 : vector<16xf32>
        %ge3A = arith.constant 0.000000e+00 : f32
        %ge3A_62 = vector.broadcast %ge3A : f32 to vector<16xf32>
        %ge3A_63 = arith.cmpf oge, %add3A_61, %ge3A_62 : vector<16xf32>
        %mul3A_64 = arith.constant 2.000000e-01 : f32
        %mul3A_65 = vector.broadcast %mul3A_64 : f32 to vector<16xf32>
        %mul3A_66 = arith.mulf %mul3A_65, %add3A_61 : vector<16xf32>
        %select_n3A = arith.select %ge3A_63, %add3A_61, %mul3A_66 : vector<16xi1>, vector<16xf32>
        %sub3A = arith.subf %select_n3A, %get3A_33 : vector<16xf32>
        %exp3A = math.exp %sub3A : vector<16xf32>
        %swap3A = arith.index_cast %mul3A_56 : i32 to index
        %swap3A_67 = tpu.vector_load %arg16[%swap3A] {strides = array<i32>} : memref<128xf32, #tpu.memory_space<vmem>>, vector<16xf32>,
        tpu.vector_store %arg16[%swap3A], %exp3A {strides = array<i32>} : memref<128xf32, #tpu.memory_space<vmem>>, vector<16xf32>,
      }
      %scan3A_47 = arith.constant 8 : i32
      %scan3A_48 = arith.constant 0 : i32
      %scan3A_49 = arith.constant 0 : i32
      %scan3A_50 = arith.constant 128 : i32
      %scan3A_51 = arith.addi %scan3A_49, %scan3A_50 : i32
      %scan3A_52 = arith.constant 1 : i32
      scf.for %scan3A_54 = %scan3A_49 to %scan3A_51 step %scan3A_52  : i32 {
        %broadcast_in_dim3A_55 = vector.broadcast %scan3A_54 : i32 to vector<16xi32>
        %gather3A = tpu.vector_load_idx %arg16[%broadcast_in_dim3A_55] : memref<128xf32, #tpu.memory_space<vmem>>[vector<16xi32>], vector<16xf32>,
        %get3A_56 = arith.index_cast %scan3A_54 : i32 to index
        %get3A_57 = arith.constant 0 : index
        %get3A_58 = tpu.vector_load %arg15[%get3A_56, %get3A_57] {strides = array<i32>} : memref<128x128xf32, #tpu.memory_space<vmem>>, vector<16xf32>,
        %mul3A_59 = arith.mulf %get3A_58, %gather3A : vector<16xf32>
        %swap3A = arith.index_cast %scan3A_54 : i32 to index
        %swap3A_60 = arith.constant 0 : index
        %swap3A_61 = tpu.vector_load %arg15[%swap3A, %swap3A_60] {strides = array<i32>} : memref<128x128xf32, #tpu.memory_space<vmem>>, vector<16xf32>,
        tpu.vector_store %arg15[%swap3A, %swap3A_60], %mul3A_59 {strides = array<i32>} : memref<128x128xf32, #tpu.memory_space<vmem>>, vector<16xf32>,
        %get3A_62 = arith.index_cast %scan3A_54 : i32 to index
        %get3A_63 = arith.constant 16 : index
        %get3A_64 = tpu.vector_load %arg15[%get3A_62, %get3A_63] {strides = array<i32>} : memref<128x128xf32, #tpu.memory_space<vmem>>, vector<16xf32>,
        %mul3A_65 = arith.mulf %get3A_64, %gather3A : vector<16xf32>
        %swap3A_66 = arith.index_cast %scan3A_54 : i32 to index
        %swap3A_67 = arith.constant 16 : index
        %swap3A_68 = tpu.vector_load %arg15[%swap3A_66, %swap3A_67] {strides = array<i32>} : memref<128x128xf32, #tpu.memory_space<vmem>>, vector<16xf32>,
        tpu.vector_store %arg15[%swap3A_66, %swap3A_67], %mul3A_65 {strides = array<i32>} : memref<128x128xf32, #tpu.memory_space<vmem>>, vector<16xf32>,
        %get3A_69 = arith.index_cast %scan3A_54 : i32 to index
        %get3A_70 = arith.constant 32 : index
        %get3A_71 = tpu.vector_load %arg15[%get3A_69, %get3A_70] {strides = array<i32>} : memref<128x128xf32, #tpu.memory_space<vmem>>, vector<16xf32>,
        %mul3A_72 = arith.mulf %get3A_71, %gather3A : vector<16xf32>
        %swap3A_73 = arith.index_cast %scan3A_54 : i32 to index
        %swap3A_74 = arith.constant 32 : index
        %swap3A_75 = tpu.vector_load %arg15[%swap3A_73, %swap3A_74] {strides = array<i32>} : memref<128x128xf32, #tpu.memory_space<vmem>>, vector<16xf32>,
        tpu.vector_store %arg15[%swap3A_73, %swap3A_74], %mul3A_72 {strides = array<i32>} : memref<128x128xf32, #tpu.memory_space<vmem>>, vector<16xf32>,
        %get3A_76 = arith.index_cast %scan3A_54 : i32 to index
        %get3A_77 = arith.constant 48 : index
        %get3A_78 = tpu.vector_load %arg15[%get3A_76, %get3A_77] {strides = array<i32>} : memref<128x128xf32, #tpu.memory_space<vmem>>, vector<16xf32>,
        %mul3A_79 = arith.mulf %get3A_78, %gather3A : vector<16xf32>
        %swap3A_80 = arith.index_cast %scan3A_54 : i32 to index
        %swap3A_81 = arith.constant 48 : index
        %swap3A_82 = tpu.vector_load %arg15[%swap3A_80, %swap3A_81] {strides = array<i32>} : memref<128x128xf32, #tpu.memory_space<vmem>>, vector<16xf32>,
        tpu.vector_store %arg15[%swap3A_80, %swap3A_81], %mul3A_79 {strides = array<i32>} : memref<128x128xf32, #tpu.memory_space<vmem>>, vector<16xf32>,
        %get3A_83 = arith.index_cast %scan3A_54 : i32 to index
        %get3A_84 = arith.constant 64 : index
        %get3A_85 = tpu.vector_load %arg15[%get3A_83, %get3A_84] {strides = array<i32>} : memref<128x128xf32, #tpu.memory_space<vmem>>, vector<16xf32>,
        %mul3A_86 = arith.mulf %get3A_85, %gather3A : vector<16xf32>
        %swap3A_87 = arith.index_cast %scan3A_54 : i32 to index
        %swap3A_88 = arith.constant 64 : index
        %swap3A_89 = tpu.vector_load %arg15[%swap3A_87, %swap3A_88] {strides = array<i32>} : memref<128x128xf32, #tpu.memory_space<vmem>>, vector<16xf32>,
        tpu.vector_store %arg15[%swap3A_87, %swap3A_88], %mul3A_86 {strides = array<i32>} : memref<128x128xf32, #tpu.memory_space<vmem>>, vector<16xf32>,
        %get3A_90 = arith.index_cast %scan3A_54 : i32 to index
        %get3A_91 = arith.constant 80 : index
        %get3A_92 = tpu.vector_load %arg15[%get3A_90, %get3A_91] {strides = array<i32>} : memref<128x128xf32, #tpu.memory_space<vmem>>, vector<16xf32>,
        %mul3A_93 = arith.mulf %get3A_92, %gather3A : vector<16xf32>
        %swap3A_94 = arith.index_cast %scan3A_54 : i32 to index
        %swap3A_95 = arith.constant 80 : index
        %swap3A_96 = tpu.vector_load %arg15[%swap3A_94, %swap3A_95] {strides = array<i32>} : memref<128x128xf32, #tpu.memory_space<vmem>>, vector<16xf32>,
        tpu.vector_store %arg15[%swap3A_94, %swap3A_95], %mul3A_93 {strides = array<i32>} : memref<128x128xf32, #tpu.memory_space<vmem>>, vector<16xf32>,
        %get3A_97 = arith.index_cast %scan3A_54 : i32 to index
        %get3A_98 = arith.constant 96 : index
        %get3A_99 = tpu.vector_load %arg15[%get3A_97, %get3A_98] {strides = array<i32>} : memref<128x128xf32, #tpu.memory_space<vmem>>, vector<16xf32>,
        %mul3A_100 = arith.mulf %get3A_99, %gather3A : vector<16xf32>
        %swap3A_101 = arith.index_cast %scan3A_54 : i32 to index
        %swap3A_102 = arith.constant 96 : index
        %swap3A_103 = tpu.vector_load %arg15[%swap3A_101, %swap3A_102] {strides = array<i32>} : memref<128x128xf32, #tpu.memory_space<vmem>>, vector<16xf32>,
        tpu.vector_store %arg15[%swap3A_101, %swap3A_102], %mul3A_100 {strides = array<i32>} : memref<128x128xf32, #tpu.memory_space<vmem>>, vector<16xf32>,
        %get3A_104 = arith.index_cast %scan3A_54 : i32 to index
        %get3A_105 = arith.constant 112 : index
        %get3A_106 = tpu.vector_load %arg15[%get3A_104, %get3A_105] {strides = array<i32>} : memref<128x128xf32, #tpu.memory_space<vmem>>, vector<16xf32>,
        %mul3A_107 = arith.mulf %get3A_106, %gather3A : vector<16xf32>
        %swap3A_108 = arith.index_cast %scan3A_54 : i32 to index
        %swap3A_109 = arith.constant 112 : index
        %swap3A_110 = tpu.vector_load %arg15[%swap3A_108, %swap3A_109] {strides = array<i32>} : memref<128x128xf32, #tpu.memory_space<vmem>>, vector<16xf32>,
        tpu.vector_store %arg15[%swap3A_108, %swap3A_109], %mul3A_107 {strides = array<i32>} : memref<128x128xf32, #tpu.memory_space<vmem>>, vector<16xf32>,
      }
      %scan3A_53 = arith.constant 128 : i32
      "tpu.region"() ({
        %run_scoped3A_54 = tpu.sem_alloc : memref<!tpu.dma_semaphore, #tpu.memory_space<semaphore_mem>>
        %dma_start3A = arith.constant 0 : i32
        %dma_start3A_55 = arith.constant 0 : i32
        %dma_start3A_56 = tpu.memref_slice %arg17[%dma_start3A, %dma_start3A_55] : memref<10240x128xf32, #tpu.memory_space<vmem_shared>> -> memref<10240x128xf32, #tpu.memory_space<vmem_shared>>
        tpu.enqueue_indirect_dma source(%arg15 : memref<128x128xf32, #tpu.memory_space<vmem>>) target(%dma_start3A_56 : memref<10240x128xf32, #tpu.memory_space<vmem_shared>>) offsets(%arg11 : memref<128xi32, #tpu.memory_space<vmem>>) semaphore(%run_scoped3A_54 : memref<!tpu.dma_semaphore, #tpu.memory_space<semaphore_mem>>) {add = true}
        %dma_wait3A = arith.constant 0 : i32
        %dma_wait3A_57 = arith.constant 0 : i32
        %dma_wait3A_58 = tpu.memref_slice %arg17[%dma_wait3A, %dma_wait3A_57] : memref<10240x128xf32, #tpu.memory_space<vmem_shared>> -> memref<10240x128xf32, #tpu.memory_space<vmem_shared>>
        tpu.wait_indirect_dma semaphore(%run_scoped3A_54 : memref<!tpu.dma_semaphore, #tpu.memory_space<semaphore_mem>>) src(%arg15 : memref<128x128xf32, #tpu.memory_space<vmem>>) dst(%dma_wait3A_58 : memref<10240x128xf32, #tpu.memory_space<vmem_shared>>)
        tpu.yield
      }) : () -> ()
      "tpu.region"() ({
        %run_scoped3A_54 = tpu.sem_alloc : memref<!tpu.dma_semaphore, #tpu.memory_space<semaphore_mem>>
        %dma_start3A = arith.constant 0 : i32
        %dma_start3A_55 = tpu.memref_slice %arg18[%dma_start3A] : memref<10240xf32, #tpu.memory_space<vmem_shared>> -> memref<10240xf32, #tpu.memory_space<vmem_shared>>
        tpu.enqueue_indirect_dma source(%arg16 : memref<128xf32, #tpu.memory_space<vmem>>) target(%dma_start3A_55 : memref<10240xf32, #tpu.memory_space<vmem_shared>>) offsets(%arg11 : memref<128xi32, #tpu.memory_space<vmem>>) semaphore(%run_scoped3A_54 : memref<!tpu.dma_semaphore, #tpu.memory_space<semaphore_mem>>) {add = true}
        %dma_wait3A = arith.constant 0 : i32
        %dma_wait3A_56 = tpu.memref_slice %arg18[%dma_wait3A] : memref<10240xf32, #tpu.memory_space<vmem_shared>> -> memref<10240xf32, #tpu.memory_space<vmem_shared>>
        tpu.wait_indirect_dma semaphore(%run_scoped3A_54 : memref<!tpu.dma_semaphore, #tpu.memory_space<semaphore_mem>>) src(%arg16 : memref<128xf32, #tpu.memory_space<vmem>>) dst(%dma_wait3A_56 : memref<10240xf32, #tpu.memory_space<vmem_shared>>)
        tpu.yield
      }) : () -> ()
    }
    %scan3A_39 = arith.constant 79 : i32
    %barrier3A_40 = arith.constant 0 : index
    tpu.barrier barrier_id(%barrier3A_40)
    "tpu.region"() ({
      %run_scoped3A_41 = tpu.sem_alloc : memref<!tpu.dma_semaphore, #tpu.memory_space<semaphore_mem>>
      %dma_start3A = arith.constant 0 : i32
      %dma_start3A_42 = tpu.memref_slice %arg8[%arg0, %mul3A_8, %dma_start3A] : memref<2x10240x128xf32, #tpu.memory_space<hbm>> -> memref<1x640x128xf32, #tpu.memory_space<hbm>>
      %dma_start3A_43 = tpu.memref_squeeze %dma_start3A_42 : memref<1x640x128xf32, #tpu.memory_space<hbm>> -> memref<640x128xf32, #tpu.memory_space<hbm>>
      %dma_start3A_44 = arith.constant 0 : i32
      %dma_start3A_45 = tpu.memref_slice %arg17[%mul3A_8, %dma_start3A_44] : memref<10240x128xf32, #tpu.memory_space<vmem_shared>> -> memref<640x128xf32, #tpu.memory_space<vmem_shared>>
      tpu.enqueue_dma source(%dma_start3A_45 : memref<640x128xf32, #tpu.memory_space<vmem_shared>>) target(%dma_start3A_43 : memref<640x128xf32, #tpu.memory_space<hbm>>) target_semaphore(%run_scoped3A_41 : memref<!tpu.dma_semaphore, #tpu.memory_space<semaphore_mem>>)
      %dma_wait3A = arith.constant 0 : i32
      %dma_wait3A_46 = tpu.memref_slice %arg8[%arg0, %mul3A_8, %dma_wait3A] : memref<2x10240x128xf32, #tpu.memory_space<hbm>> -> memref<1x640x128xf32, #tpu.memory_space<hbm>>
      %dma_wait3A_47 = tpu.memref_squeeze %dma_wait3A_46 : memref<1x640x128xf32, #tpu.memory_space<hbm>> -> memref<640x128xf32, #tpu.memory_space<hbm>>
      %dma_wait3A_48 = arith.constant 0 : i32
      %dma_wait3A_49 = tpu.memref_slice %arg17[%mul3A_8, %dma_wait3A_48] : memref<10240x128xf32, #tpu.memory_space<vmem_shared>> -> memref<640x128xf32, #tpu.memory_space<vmem_shared>>
      tpu.wait_dma2 semaphore(%run_scoped3A_41 : memref<!tpu.dma_semaphore, #tpu.memory_space<semaphore_mem>>) src(%dma_wait3A_49 : memref<640x128xf32, #tpu.memory_space<vmem_shared>>) dst(%dma_wait3A_47 : memref<640x128xf32, #tpu.memory_space<hbm>>)
      tpu.yield
    }) : () -> ()
    "tpu.region"() ({
      %run_scoped3A_41 = tpu.sem_alloc : memref<!tpu.dma_semaphore, #tpu.memory_space<semaphore_mem>>
      %dma_start3A = tpu.memref_slice %arg9[%arg0, %mul3A_8] : memref<2x10240xf32, #tpu.memory_space<hbm>> -> memref<1x640xf32, #tpu.memory_space<hbm>>
      %dma_start3A_42 = tpu.memref_squeeze %dma_start3A : memref<1x640xf32, #tpu.memory_space<hbm>> -> memref<640xf32, #tpu.memory_space<hbm>>
      %dma_start3A_43 = tpu.memref_slice %arg18[%mul3A_8] : memref<10240xf32, #tpu.memory_space<vmem_shared>> -> memref<640xf32, #tpu.memory_space<vmem_shared>>
      tpu.enqueue_dma source(%dma_start3A_43 : memref<640xf32, #tpu.memory_space<vmem_shared>>) target(%dma_start3A_42 : memref<640xf32, #tpu.memory_space<hbm>>) target_semaphore(%run_scoped3A_41 : memref<!tpu.dma_semaphore, #tpu.memory_space<semaphore_mem>>)
      %dma_wait3A = tpu.memref_slice %arg9[%arg0, %mul3A_8] : memref<2x10240xf32, #tpu.memory_space<hbm>> -> memref<1x640xf32, #tpu.memory_space<hbm>>
      %dma_wait3A_44 = tpu.memref_squeeze %dma_wait3A : memref<1x640xf32, #tpu.memory_space<hbm>> -> memref<640xf32, #tpu.memory_space<hbm>>
      %dma_wait3A_45 = tpu.memref_slice %arg18[%mul3A_8] : memref<10240xf32, #tpu.memory_space<vmem_shared>> -> memref<640xf32, #tpu.memory_space<vmem_shared>>
      tpu.wait_dma2 semaphore(%run_scoped3A_41 : memref<!tpu.dma_semaphore, #tpu.memory_space<semaphore_mem>>) src(%dma_wait3A_45 : memref<640xf32, #tpu.memory_space<vmem_shared>>) dst(%dma_wait3A_44 : memref<640xf32, #tpu.memory_space<hbm>>)
      tpu.yield
    }) : () -> ()
    return
  }
}

#map = affine_map<(d0, d1) -> (0, 0)>
#map1 = affine_map<(d0, d1) -> (0)>
#map2 = affine_map<(d0, d1) -> (0, 0, 0)>
module attributes {stable_mosaic.version = 14 : i64} {
  func.func @sc_edge(%arg0: i32, %arg1: i32, %arg2: memref<10240x128xf32, #tpu.memory_space<hbm>>, %arg3: memref<10240xf32, #tpu.memory_space<hbm>>, %arg4: memref<10240xf32, #tpu.memory_space<hbm>>, %arg5: memref<16xf32, #tpu.memory_space<hbm>>, %arg6: memref<32x79x128xi32, #tpu.memory_space<hbm>>, %arg7: memref<32x79x128xi32, #tpu.memory_space<hbm>>, %arg8: memref<2x10240x128xf32, #tpu.memory_space<hbm>>, %arg9: memref<2x10240xf32, #tpu.memory_space<hbm>>, %arg10: memref<128xi32, #tpu.memory_space<vmem>>, %arg11: memref<128xi32, #tpu.memory_space<vmem>>, %arg12: memref<128xf32, #tpu.memory_space<vmem>>, %arg13: memref<128xf32, #tpu.memory_space<vmem>>, %arg14: memref<16xf32, #tpu.memory_space<vmem>>, %arg15: memref<128x128xf32, #tpu.memory_space<vmem>>, %arg16: memref<128xf32, #tpu.memory_space<vmem>>, %arg17: memref<10240x128xf32, #tpu.memory_space<vmem_shared>>, %arg18: memref<10240xf32, #tpu.memory_space<vmem_shared>>) attributes {dimension_semantics = [#tpu.dimension_semantics<core_parallel>, #tpu.dimension_semantics<subcore_parallel>], iteration_bounds = array<i64: 2, 16>, scalar_prefetch = 0 : i64, scratch_operands = 9 : i64, tpu.core_type = #tpu.core_type<sc_vector_subcore>, window_params = [{transform_indices = #map}, {transform_indices = #map1}, {transform_indices = #map1}, {transform_indices = #map1}, {transform_indices = #map2}, {transform_indices = #map2}, {transform_indices = #map2}, {transform_indices = #map}]} {
    %mul3A = arith.constant 16 : i32
    %mul3A_0 = arith.muli %arg0, %mul3A : i32
    %add3A = arith.addi %mul3A_0, %arg1 : i32
    "tpu.region"() ({
      %run_scoped3A_41 = tpu.sem_alloc : memref<!tpu.dma_semaphore, #tpu.memory_space<semaphore_mem>>
      tpu.enqueue_dma source(%arg5 : memref<16xf32, #tpu.memory_space<hbm>>) target(%arg14 : memref<16xf32, #tpu.memory_space<vmem>>) target_semaphore(%run_scoped3A_41 : memref<!tpu.dma_semaphore, #tpu.memory_space<semaphore_mem>>)
      tpu.wait_dma2 semaphore(%run_scoped3A_41 : memref<!tpu.dma_semaphore, #tpu.memory_space<semaphore_mem>>) src(%arg5 : memref<16xf32, #tpu.memory_space<hbm>>) dst(%arg14 : memref<16xf32, #tpu.memory_space<vmem>>)
      tpu.yield
    }) : () -> ()
    %broadcast_in_dim3A = arith.constant 0.000000e+00 : f32
    %broadcast_in_dim3A_1 = vector.broadcast %broadcast_in_dim3A : f32 to vector<16xf32>
    %scan3A = arith.constant 0 : i32
    %scan3A_2 = arith.constant 0 : i32
    %scan3A_3 = arith.constant 1024 : i32
    %scan3A_4 = arith.addi %scan3A_2, %scan3A_3 : i32
    %scan3A_5 = arith.constant 1 : i32
    scf.for %scan3A_41 = %scan3A_2 to %scan3A_4 step %scan3A_5  : i32 {
      %jit3A = arith.constant 8 : i32
      %div3A = arith.divsi %scan3A_41, %jit3A : i32
      %sign3A = arith.constant 0 : i32
      %sign3A_42 = arith.cmpi sgt, %scan3A_41, %sign3A : i32
      %sign3A_43 = arith.extui %sign3A_42 : i1 to i32
      %sign3A_44 = arith.constant 0 : i32
      %sign3A_45 = arith.cmpi slt, %scan3A_41, %sign3A_44 : i32
      %sign3A_46 = arith.extui %sign3A_45 : i1 to i32
      %sign3A_47 = arith.subi %sign3A_43, %sign3A_46 : i32
      %sign3A_48 = arith.constant 0 : i32
      %sign3A_49 = arith.cmpi sgt, %jit3A, %sign3A_48 : i32
      %sign3A_50 = arith.extui %sign3A_49 : i1 to i32
      %sign3A_51 = arith.constant 0 : i32
      %sign3A_52 = arith.cmpi slt, %jit3A, %sign3A_51 : i32
      %sign3A_53 = arith.extui %sign3A_52 : i1 to i32
      %sign3A_54 = arith.subi %sign3A_50, %sign3A_53 : i32
      %ne3A = arith.cmpi ne, %sign3A_47, %sign3A_54 : i32
      %rem3A = arith.remsi %scan3A_41, %jit3A : i32
      %ne3A_55 = arith.constant 0 : i32
      %ne3A_56 = arith.cmpi ne, %rem3A, %ne3A_55 : i32
      %and3A = arith.andi %ne3A, %ne3A_56 : i1
      %sub3A = arith.constant 1 : i32
      %sub3A_57 = arith.subi %div3A, %sub3A : i32
      %select_n3A = arith.select %and3A, %sub3A_57, %div3A : i32
      %jit3A_58 = arith.constant 8 : i32
      %eq3A = arith.constant 0 : i32
      %eq3A_59 = arith.cmpi eq, %jit3A_58, %eq3A : i32
      %jit3A_60 = arith.constant 1 : i32
      %select_n3A_61 = arith.select %eq3A_59, %jit3A_60, %jit3A_58 : i32
      %rem3A_62 = arith.remsi %scan3A_41, %select_n3A_61 : i32
      %ne3A_63 = arith.constant 0 : i32
      %ne3A_64 = arith.cmpi ne, %rem3A_62, %ne3A_63 : i32
      %lt3A = arith.constant 0 : i32
      %lt3A_65 = arith.cmpi slt, %rem3A_62, %lt3A : i32
      %lt3A_66 = arith.constant 0 : i32
      %lt3A_67 = arith.cmpi slt, %select_n3A_61, %lt3A_66 : i32
      %ne3A_68 = arith.xori %lt3A_65, %lt3A_67 : i1
      %and3A_69 = arith.andi %ne3A_68, %ne3A_64 : i1
      %add3A_70 = arith.addi %rem3A_62, %select_n3A_61 : i32
      %select_n3A_71 = arith.select %and3A_69, %add3A_70, %rem3A_62 : i32
      %mul3A_72 = arith.constant 16 : i32
      %mul3A_73 = arith.muli %select_n3A_71, %mul3A_72 : i32
      %swap3A = arith.index_cast %select_n3A : i32 to index
      %swap3A_74 = arith.index_cast %mul3A_73 : i32 to index
      %swap3A_75 = tpu.vector_load %arg15[%swap3A, %swap3A_74] {strides = array<i32>} : memref<128x128xf32, #tpu.memory_space<vmem>>, vector<16xf32>,
      tpu.vector_store %arg15[%swap3A, %swap3A_74], %broadcast_in_dim3A_1 {strides = array<i32>} : memref<128x128xf32, #tpu.memory_space<vmem>>, vector<16xf32>,
    }
    %scan3A_6 = arith.constant 1024 : i32
    %mul3A_7 = arith.constant 640 : i32
    %mul3A_8 = arith.muli %arg1, %mul3A_7 : i32
    %add3A_9 = arith.constant 0 : i32
    %add3A_10 = arith.addi %mul3A_8, %add3A_9 : i32
    "tpu.region"() ({
      %run_scoped3A_41 = tpu.sem_alloc : memref<!tpu.dma_semaphore, #tpu.memory_space<semaphore_mem>>
      %dma_start3A = arith.constant 0 : i32
      %dma_start3A_42 = tpu.memref_slice %arg17[%add3A_10, %dma_start3A] : memref<10240x128xf32, #tpu.memory_space<vmem_shared>> -> memref<128x128xf32, #tpu.memory_space<vmem_shared>>
      %dma_start3A_43 = arith.constant 0 : i32
      %dma_start3A_44 = tpu.memref_slice %arg17[%add3A_10, %dma_start3A_43] : memref<10240x128xf32, #tpu.memory_space<vmem_shared>> -> memref<128x128xf32, #tpu.memory_space<vmem_shared>>
      tpu.enqueue_dma source(%arg15 : memref<128x128xf32, #tpu.memory_space<vmem>>) target(%dma_start3A_44 : memref<128x128xf32, #tpu.memory_space<vmem_shared>>) target_semaphore(%run_scoped3A_41 : memref<!tpu.dma_semaphore, #tpu.memory_space<semaphore_mem>>)
      %dma_wait3A = arith.constant 0 : i32
      %dma_wait3A_45 = tpu.memref_slice %arg17[%add3A_10, %dma_wait3A] : memref<10240x128xf32, #tpu.memory_space<vmem_shared>> -> memref<128x128xf32, #tpu.memory_space<vmem_shared>>
      %dma_wait3A_46 = arith.constant 0 : i32
      %dma_wait3A_47 = tpu.memref_slice %arg17[%add3A_10, %dma_wait3A_46] : memref<10240x128xf32, #tpu.memory_space<vmem_shared>> -> memref<128x128xf32, #tpu.memory_space<vmem_shared>>
      tpu.wait_dma2 semaphore(%run_scoped3A_41 : memref<!tpu.dma_semaphore, #tpu.memory_space<semaphore_mem>>) src(%arg15 : memref<128x128xf32, #tpu.memory_space<vmem>>) dst(%dma_wait3A_47 : memref<128x128xf32, #tpu.memory_space<vmem_shared>>)
      tpu.yield
    }) : () -> ()
    %add3A_11 = arith.constant 0 : i32
    %add3A_12 = arith.addi %mul3A_8, %add3A_11 : i32
    %run_scoped3A = arith.constant 0 : i32
    "tpu.region"() ({
      %run_scoped3A_41 = tpu.sem_alloc : memref<!tpu.dma_semaphore, #tpu.memory_space<semaphore_mem>>
      %dma_start3A = arith.constant 0 : i32
      %dma_start3A_42 = tpu.memref_slice %arg15[%run_scoped3A, %dma_start3A] : memref<128x128xf32, #tpu.memory_space<vmem>> -> memref<1x128xf32, #tpu.memory_space<vmem>>
      %dma_start3A_43 = tpu.memref_squeeze %dma_start3A_42 : memref<1x128xf32, #tpu.memory_space<vmem>> -> memref<128xf32, #tpu.memory_space<vmem>>
      %dma_start3A_44 = tpu.memref_slice %arg18[%add3A_12] : memref<10240xf32, #tpu.memory_space<vmem_shared>> -> memref<128xf32, #tpu.memory_space<vmem_shared>>
      %dma_start3A_45 = tpu.memref_slice %arg18[%add3A_12] : memref<10240xf32, #tpu.memory_space<vmem_shared>> -> memref<128xf32, #tpu.memory_space<vmem_shared>>
      %dma_start3A_46 = arith.constant 0 : i32
      %dma_start3A_47 = tpu.memref_slice %arg15[%run_scoped3A, %dma_start3A_46] : memref<128x128xf32, #tpu.memory_space<vmem>> -> memref<1x128xf32, #tpu.memory_space<vmem>>
      %dma_start3A_48 = tpu.memref_squeeze %dma_start3A_47 : memref<1x128xf32, #tpu.memory_space<vmem>> -> memref<128xf32, #tpu.memory_space<vmem>>
      tpu.enqueue_dma source(%dma_start3A_48 : memref<128xf32, #tpu.memory_space<vmem>>) target(%dma_start3A_45 : memref<128xf32, #tpu.memory_space<vmem_shared>>) target_semaphore(%run_scoped3A_41 : memref<!tpu.dma_semaphore, #tpu.memory_space<semaphore_mem>>)
      %dma_wait3A = arith.constant 0 : i32
      %dma_wait3A_49 = tpu.memref_slice %arg15[%run_scoped3A, %dma_wait3A] : memref<128x128xf32, #tpu.memory_space<vmem>> -> memref<1x128xf32, #tpu.memory_space<vmem>>
      %dma_wait3A_50 = tpu.memref_squeeze %dma_wait3A_49 : memref<1x128xf32, #tpu.memory_space<vmem>> -> memref<128xf32, #tpu.memory_space<vmem>>
      %dma_wait3A_51 = tpu.memref_slice %arg18[%add3A_12] : memref<10240xf32, #tpu.memory_space<vmem_shared>> -> memref<128xf32, #tpu.memory_space<vmem_shared>>
      %dma_wait3A_52 = tpu.memref_slice %arg18[%add3A_12] : memref<10240xf32, #tpu.memory_space<vmem_shared>> -> memref<128xf32, #tpu.memory_space<vmem_shared>>
      %dma_wait3A_53 = arith.constant 0 : i32
      %dma_wait3A_54 = tpu.memref_slice %arg15[%run_scoped3A, %dma_wait3A_53] : memref<128x128xf32, #tpu.memory_space<vmem>> -> memref<1x128xf32, #tpu.memory_space<vmem>>
      %dma_wait3A_55 = tpu.memref_squeeze %dma_wait3A_54 : memref<1x128xf32, #tpu.memory_space<vmem>> -> memref<128xf32, #tpu.memory_space<vmem>>
      tpu.wait_dma2 semaphore(%run_scoped3A_41 : memref<!tpu.dma_semaphore, #tpu.memory_space<semaphore_mem>>) src(%dma_wait3A_55 : memref<128xf32, #tpu.memory_space<vmem>>) dst(%dma_wait3A_52 : memref<128xf32, #tpu.memory_space<vmem_shared>>)
      tpu.yield
    }) : () -> ()
    %add3A_13 = arith.constant 128 : i32
    %add3A_14 = arith.addi %mul3A_8, %add3A_13 : i32
    "tpu.region"() ({
      %run_scoped3A_41 = tpu.sem_alloc : memref<!tpu.dma_semaphore, #tpu.memory_space<semaphore_mem>>
      %dma_start3A = arith.constant 0 : i32
      %dma_start3A_42 = tpu.memref_slice %arg17[%add3A_14, %dma_start3A] : memref<10240x128xf32, #tpu.memory_space<vmem_shared>> -> memref<128x128xf32, #tpu.memory_space<vmem_shared>>
      %dma_start3A_43 = arith.constant 0 : i32
      %dma_start3A_44 = tpu.memref_slice %arg17[%add3A_14, %dma_start3A_43] : memref<10240x128xf32, #tpu.memory_space<vmem_shared>> -> memref<128x128xf32, #tpu.memory_space<vmem_shared>>
      tpu.enqueue_dma source(%arg15 : memref<128x128xf32, #tpu.memory_space<vmem>>) target(%dma_start3A_44 : memref<128x128xf32, #tpu.memory_space<vmem_shared>>) target_semaphore(%run_scoped3A_41 : memref<!tpu.dma_semaphore, #tpu.memory_space<semaphore_mem>>)
      %dma_wait3A = arith.constant 0 : i32
      %dma_wait3A_45 = tpu.memref_slice %arg17[%add3A_14, %dma_wait3A] : memref<10240x128xf32, #tpu.memory_space<vmem_shared>> -> memref<128x128xf32, #tpu.memory_space<vmem_shared>>
      %dma_wait3A_46 = arith.constant 0 : i32
      %dma_wait3A_47 = tpu.memref_slice %arg17[%add3A_14, %dma_wait3A_46] : memref<10240x128xf32, #tpu.memory_space<vmem_shared>> -> memref<128x128xf32, #tpu.memory_space<vmem_shared>>
      tpu.wait_dma2 semaphore(%run_scoped3A_41 : memref<!tpu.dma_semaphore, #tpu.memory_space<semaphore_mem>>) src(%arg15 : memref<128x128xf32, #tpu.memory_space<vmem>>) dst(%dma_wait3A_47 : memref<128x128xf32, #tpu.memory_space<vmem_shared>>)
      tpu.yield
    }) : () -> ()
    %add3A_15 = arith.constant 128 : i32
    %add3A_16 = arith.addi %mul3A_8, %add3A_15 : i32
    %run_scoped3A_17 = arith.constant 0 : i32
    "tpu.region"() ({
      %run_scoped3A_41 = tpu.sem_alloc : memref<!tpu.dma_semaphore, #tpu.memory_space<semaphore_mem>>
      %dma_start3A = arith.constant 0 : i32
      %dma_start3A_42 = tpu.memref_slice %arg15[%run_scoped3A_17, %dma_start3A] : memref<128x128xf32, #tpu.memory_space<vmem>> -> memref<1x128xf32, #tpu.memory_space<vmem>>
      %dma_start3A_43 = tpu.memref_squeeze %dma_start3A_42 : memref<1x128xf32, #tpu.memory_space<vmem>> -> memref<128xf32, #tpu.memory_space<vmem>>
      %dma_start3A_44 = tpu.memref_slice %arg18[%add3A_16] : memref<10240xf32, #tpu.memory_space<vmem_shared>> -> memref<128xf32, #tpu.memory_space<vmem_shared>>
      %dma_start3A_45 = tpu.memref_slice %arg18[%add3A_16] : memref<10240xf32, #tpu.memory_space<vmem_shared>> -> memref<128xf32, #tpu.memory_space<vmem_shared>>
      %dma_start3A_46 = arith.constant 0 : i32
      %dma_start3A_47 = tpu.memref_slice %arg15[%run_scoped3A_17, %dma_start3A_46] : memref<128x128xf32, #tpu.memory_space<vmem>> -> memref<1x128xf32, #tpu.memory_space<vmem>>
      %dma_start3A_48 = tpu.memref_squeeze %dma_start3A_47 : memref<1x128xf32, #tpu.memory_space<vmem>> -> memref<128xf32, #tpu.memory_space<vmem>>
      tpu.enqueue_dma source(%dma_start3A_48 : memref<128xf32, #tpu.memory_space<vmem>>) target(%dma_start3A_45 : memref<128xf32, #tpu.memory_space<vmem_shared>>) target_semaphore(%run_scoped3A_41 : memref<!tpu.dma_semaphore, #tpu.memory_space<semaphore_mem>>)
      %dma_wait3A = arith.constant 0 : i32
      %dma_wait3A_49 = tpu.memref_slice %arg15[%run_scoped3A_17, %dma_wait3A] : memref<128x128xf32, #tpu.memory_space<vmem>> -> memref<1x128xf32, #tpu.memory_space<vmem>>
      %dma_wait3A_50 = tpu.memref_squeeze %dma_wait3A_49 : memref<1x128xf32, #tpu.memory_space<vmem>> -> memref<128xf32, #tpu.memory_space<vmem>>
      %dma_wait3A_51 = tpu.memref_slice %arg18[%add3A_16] : memref<10240xf32, #tpu.memory_space<vmem_shared>> -> memref<128xf32, #tpu.memory_space<vmem_shared>>
      %dma_wait3A_52 = tpu.memref_slice %arg18[%add3A_16] : memref<10240xf32, #tpu.memory_space<vmem_shared>> -> memref<128xf32, #tpu.memory_space<vmem_shared>>
      %dma_wait3A_53 = arith.constant 0 : i32
      %dma_wait3A_54 = tpu.memref_slice %arg15[%run_scoped3A_17, %dma_wait3A_53] : memref<128x128xf32, #tpu.memory_space<vmem>> -> memref<1x128xf32, #tpu.memory_space<vmem>>
      %dma_wait3A_55 = tpu.memref_squeeze %dma_wait3A_54 : memref<1x128xf32, #tpu.memory_space<vmem>> -> memref<128xf32, #tpu.memory_space<vmem>>
      tpu.wait_dma2 semaphore(%run_scoped3A_41 : memref<!tpu.dma_semaphore, #tpu.memory_space<semaphore_mem>>) src(%dma_wait3A_55 : memref<128xf32, #tpu.memory_space<vmem>>) dst(%dma_wait3A_52 : memref<128xf32, #tpu.memory_space<vmem_shared>>)
      tpu.yield
    }) : () -> ()
    %add3A_18 = arith.constant 256 : i32
    %add3A_19 = arith.addi %mul3A_8, %add3A_18 : i32
    "tpu.region"() ({
      %run_scoped3A_41 = tpu.sem_alloc : memref<!tpu.dma_semaphore, #tpu.memory_space<semaphore_mem>>
      %dma_start3A = arith.constant 0 : i32
      %dma_start3A_42 = tpu.memref_slice %arg17[%add3A_19, %dma_start3A] : memref<10240x128xf32, #tpu.memory_space<vmem_shared>> -> memref<128x128xf32, #tpu.memory_space<vmem_shared>>
      %dma_start3A_43 = arith.constant 0 : i32
      %dma_start3A_44 = tpu.memref_slice %arg17[%add3A_19, %dma_start3A_43] : memref<10240x128xf32, #tpu.memory_space<vmem_shared>> -> memref<128x128xf32, #tpu.memory_space<vmem_shared>>
      tpu.enqueue_dma source(%arg15 : memref<128x128xf32, #tpu.memory_space<vmem>>) target(%dma_start3A_44 : memref<128x128xf32, #tpu.memory_space<vmem_shared>>) target_semaphore(%run_scoped3A_41 : memref<!tpu.dma_semaphore, #tpu.memory_space<semaphore_mem>>)
      %dma_wait3A = arith.constant 0 : i32
      %dma_wait3A_45 = tpu.memref_slice %arg17[%add3A_19, %dma_wait3A] : memref<10240x128xf32, #tpu.memory_space<vmem_shared>> -> memref<128x128xf32, #tpu.memory_space<vmem_shared>>
      %dma_wait3A_46 = arith.constant 0 : i32
      %dma_wait3A_47 = tpu.memref_slice %arg17[%add3A_19, %dma_wait3A_46] : memref<10240x128xf32, #tpu.memory_space<vmem_shared>> -> memref<128x128xf32, #tpu.memory_space<vmem_shared>>
      tpu.wait_dma2 semaphore(%run_scoped3A_41 : memref<!tpu.dma_semaphore, #tpu.memory_space<semaphore_mem>>) src(%arg15 : memref<128x128xf32, #tpu.memory_space<vmem>>) dst(%dma_wait3A_47 : memref<128x128xf32, #tpu.memory_space<vmem_shared>>)
      tpu.yield
    }) : () -> ()
    %add3A_20 = arith.constant 256 : i32
    %add3A_21 = arith.addi %mul3A_8, %add3A_20 : i32
    %run_scoped3A_22 = arith.constant 0 : i32
    "tpu.region"() ({
      %run_scoped3A_41 = tpu.sem_alloc : memref<!tpu.dma_semaphore, #tpu.memory_space<semaphore_mem>>
      %dma_start3A = arith.constant 0 : i32
      %dma_start3A_42 = tpu.memref_slice %arg15[%run_scoped3A_22, %dma_start3A] : memref<128x128xf32, #tpu.memory_space<vmem>> -> memref<1x128xf32, #tpu.memory_space<vmem>>
      %dma_start3A_43 = tpu.memref_squeeze %dma_start3A_42 : memref<1x128xf32, #tpu.memory_space<vmem>> -> memref<128xf32, #tpu.memory_space<vmem>>
      %dma_start3A_44 = tpu.memref_slice %arg18[%add3A_21] : memref<10240xf32, #tpu.memory_space<vmem_shared>> -> memref<128xf32, #tpu.memory_space<vmem_shared>>
      %dma_start3A_45 = tpu.memref_slice %arg18[%add3A_21] : memref<10240xf32, #tpu.memory_space<vmem_shared>> -> memref<128xf32, #tpu.memory_space<vmem_shared>>
      %dma_start3A_46 = arith.constant 0 : i32
      %dma_start3A_47 = tpu.memref_slice %arg15[%run_scoped3A_22, %dma_start3A_46] : memref<128x128xf32, #tpu.memory_space<vmem>> -> memref<1x128xf32, #tpu.memory_space<vmem>>
      %dma_start3A_48 = tpu.memref_squeeze %dma_start3A_47 : memref<1x128xf32, #tpu.memory_space<vmem>> -> memref<128xf32, #tpu.memory_space<vmem>>
      tpu.enqueue_dma source(%dma_start3A_48 : memref<128xf32, #tpu.memory_space<vmem>>) target(%dma_start3A_45 : memref<128xf32, #tpu.memory_space<vmem_shared>>) target_semaphore(%run_scoped3A_41 : memref<!tpu.dma_semaphore, #tpu.memory_space<semaphore_mem>>)
      %dma_wait3A = arith.constant 0 : i32
      %dma_wait3A_49 = tpu.memref_slice %arg15[%run_scoped3A_22, %dma_wait3A] : memref<128x128xf32, #tpu.memory_space<vmem>> -> memref<1x128xf32, #tpu.memory_space<vmem>>
      %dma_wait3A_50 = tpu.memref_squeeze %dma_wait3A_49 : memref<1x128xf32, #tpu.memory_space<vmem>> -> memref<128xf32, #tpu.memory_space<vmem>>
      %dma_wait3A_51 = tpu.memref_slice %arg18[%add3A_21] : memref<10240xf32, #tpu.memory_space<vmem_shared>> -> memref<128xf32, #tpu.memory_space<vmem_shared>>
      %dma_wait3A_52 = tpu.memref_slice %arg18[%add3A_21] : memref<10240xf32, #tpu.memory_space<vmem_shared>> -> memref<128xf32, #tpu.memory_space<vmem_shared>>
      %dma_wait3A_53 = arith.constant 0 : i32
      %dma_wait3A_54 = tpu.memref_slice %arg15[%run_scoped3A_22, %dma_wait3A_53] : memref<128x128xf32, #tpu.memory_space<vmem>> -> memref<1x128xf32, #tpu.memory_space<vmem>>
      %dma_wait3A_55 = tpu.memref_squeeze %dma_wait3A_54 : memref<1x128xf32, #tpu.memory_space<vmem>> -> memref<128xf32, #tpu.memory_space<vmem>>
      tpu.wait_dma2 semaphore(%run_scoped3A_41 : memref<!tpu.dma_semaphore, #tpu.memory_space<semaphore_mem>>) src(%dma_wait3A_55 : memref<128xf32, #tpu.memory_space<vmem>>) dst(%dma_wait3A_52 : memref<128xf32, #tpu.memory_space<vmem_shared>>)
      tpu.yield
    }) : () -> ()
    %add3A_23 = arith.constant 384 : i32
    %add3A_24 = arith.addi %mul3A_8, %add3A_23 : i32
    "tpu.region"() ({
      %run_scoped3A_41 = tpu.sem_alloc : memref<!tpu.dma_semaphore, #tpu.memory_space<semaphore_mem>>
      %dma_start3A = arith.constant 0 : i32
      %dma_start3A_42 = tpu.memref_slice %arg17[%add3A_24, %dma_start3A] : memref<10240x128xf32, #tpu.memory_space<vmem_shared>> -> memref<128x128xf32, #tpu.memory_space<vmem_shared>>
      %dma_start3A_43 = arith.constant 0 : i32
      %dma_start3A_44 = tpu.memref_slice %arg17[%add3A_24, %dma_start3A_43] : memref<10240x128xf32, #tpu.memory_space<vmem_shared>> -> memref<128x128xf32, #tpu.memory_space<vmem_shared>>
      tpu.enqueue_dma source(%arg15 : memref<128x128xf32, #tpu.memory_space<vmem>>) target(%dma_start3A_44 : memref<128x128xf32, #tpu.memory_space<vmem_shared>>) target_semaphore(%run_scoped3A_41 : memref<!tpu.dma_semaphore, #tpu.memory_space<semaphore_mem>>)
      %dma_wait3A = arith.constant 0 : i32
      %dma_wait3A_45 = tpu.memref_slice %arg17[%add3A_24, %dma_wait3A] : memref<10240x128xf32, #tpu.memory_space<vmem_shared>> -> memref<128x128xf32, #tpu.memory_space<vmem_shared>>
      %dma_wait3A_46 = arith.constant 0 : i32
      %dma_wait3A_47 = tpu.memref_slice %arg17[%add3A_24, %dma_wait3A_46] : memref<10240x128xf32, #tpu.memory_space<vmem_shared>> -> memref<128x128xf32, #tpu.memory_space<vmem_shared>>
      tpu.wait_dma2 semaphore(%run_scoped3A_41 : memref<!tpu.dma_semaphore, #tpu.memory_space<semaphore_mem>>) src(%arg15 : memref<128x128xf32, #tpu.memory_space<vmem>>) dst(%dma_wait3A_47 : memref<128x128xf32, #tpu.memory_space<vmem_shared>>)
      tpu.yield
    }) : () -> ()
    %add3A_25 = arith.constant 384 : i32
    %add3A_26 = arith.addi %mul3A_8, %add3A_25 : i32
    %run_scoped3A_27 = arith.constant 0 : i32
    "tpu.region"() ({
      %run_scoped3A_41 = tpu.sem_alloc : memref<!tpu.dma_semaphore, #tpu.memory_space<semaphore_mem>>
      %dma_start3A = arith.constant 0 : i32
      %dma_start3A_42 = tpu.memref_slice %arg15[%run_scoped3A_27, %dma_start3A] : memref<128x128xf32, #tpu.memory_space<vmem>> -> memref<1x128xf32, #tpu.memory_space<vmem>>
      %dma_start3A_43 = tpu.memref_squeeze %dma_start3A_42 : memref<1x128xf32, #tpu.memory_space<vmem>> -> memref<128xf32, #tpu.memory_space<vmem>>
      %dma_start3A_44 = tpu.memref_slice %arg18[%add3A_26] : memref<10240xf32, #tpu.memory_space<vmem_shared>> -> memref<128xf32, #tpu.memory_space<vmem_shared>>
      %dma_start3A_45 = tpu.memref_slice %arg18[%add3A_26] : memref<10240xf32, #tpu.memory_space<vmem_shared>> -> memref<128xf32, #tpu.memory_space<vmem_shared>>
      %dma_start3A_46 = arith.constant 0 : i32
      %dma_start3A_47 = tpu.memref_slice %arg15[%run_scoped3A_27, %dma_start3A_46] : memref<128x128xf32, #tpu.memory_space<vmem>> -> memref<1x128xf32, #tpu.memory_space<vmem>>
      %dma_start3A_48 = tpu.memref_squeeze %dma_start3A_47 : memref<1x128xf32, #tpu.memory_space<vmem>> -> memref<128xf32, #tpu.memory_space<vmem>>
      tpu.enqueue_dma source(%dma_start3A_48 : memref<128xf32, #tpu.memory_space<vmem>>) target(%dma_start3A_45 : memref<128xf32, #tpu.memory_space<vmem_shared>>) target_semaphore(%run_scoped3A_41 : memref<!tpu.dma_semaphore, #tpu.memory_space<semaphore_mem>>)
      %dma_wait3A = arith.constant 0 : i32
      %dma_wait3A_49 = tpu.memref_slice %arg15[%run_scoped3A_27, %dma_wait3A] : memref<128x128xf32, #tpu.memory_space<vmem>> -> memref<1x128xf32, #tpu.memory_space<vmem>>
      %dma_wait3A_50 = tpu.memref_squeeze %dma_wait3A_49 : memref<1x128xf32, #tpu.memory_space<vmem>> -> memref<128xf32, #tpu.memory_space<vmem>>
      %dma_wait3A_51 = tpu.memref_slice %arg18[%add3A_26] : memref<10240xf32, #tpu.memory_space<vmem_shared>> -> memref<128xf32, #tpu.memory_space<vmem_shared>>
      %dma_wait3A_52 = tpu.memref_slice %arg18[%add3A_26] : memref<10240xf32, #tpu.memory_space<vmem_shared>> -> memref<128xf32, #tpu.memory_space<vmem_shared>>
      %dma_wait3A_53 = arith.constant 0 : i32
      %dma_wait3A_54 = tpu.memref_slice %arg15[%run_scoped3A_27, %dma_wait3A_53] : memref<128x128xf32, #tpu.memory_space<vmem>> -> memref<1x128xf32, #tpu.memory_space<vmem>>
      %dma_wait3A_55 = tpu.memref_squeeze %dma_wait3A_54 : memref<1x128xf32, #tpu.memory_space<vmem>> -> memref<128xf32, #tpu.memory_space<vmem>>
      tpu.wait_dma2 semaphore(%run_scoped3A_41 : memref<!tpu.dma_semaphore, #tpu.memory_space<semaphore_mem>>) src(%dma_wait3A_55 : memref<128xf32, #tpu.memory_space<vmem>>) dst(%dma_wait3A_52 : memref<128xf32, #tpu.memory_space<vmem_shared>>)
      tpu.yield
    }) : () -> ()
    %add3A_28 = arith.constant 512 : i32
    %add3A_29 = arith.addi %mul3A_8, %add3A_28 : i32
    "tpu.region"() ({
      %run_scoped3A_41 = tpu.sem_alloc : memref<!tpu.dma_semaphore, #tpu.memory_space<semaphore_mem>>
      %dma_start3A = arith.constant 0 : i32
      %dma_start3A_42 = tpu.memref_slice %arg17[%add3A_29, %dma_start3A] : memref<10240x128xf32, #tpu.memory_space<vmem_shared>> -> memref<128x128xf32, #tpu.memory_space<vmem_shared>>
      %dma_start3A_43 = arith.constant 0 : i32
      %dma_start3A_44 = tpu.memref_slice %arg17[%add3A_29, %dma_start3A_43] : memref<10240x128xf32, #tpu.memory_space<vmem_shared>> -> memref<128x128xf32, #tpu.memory_space<vmem_shared>>
      tpu.enqueue_dma source(%arg15 : memref<128x128xf32, #tpu.memory_space<vmem>>) target(%dma_start3A_44 : memref<128x128xf32, #tpu.memory_space<vmem_shared>>) target_semaphore(%run_scoped3A_41 : memref<!tpu.dma_semaphore, #tpu.memory_space<semaphore_mem>>)
      %dma_wait3A = arith.constant 0 : i32
      %dma_wait3A_45 = tpu.memref_slice %arg17[%add3A_29, %dma_wait3A] : memref<10240x128xf32, #tpu.memory_space<vmem_shared>> -> memref<128x128xf32, #tpu.memory_space<vmem_shared>>
      %dma_wait3A_46 = arith.constant 0 : i32
      %dma_wait3A_47 = tpu.memref_slice %arg17[%add3A_29, %dma_wait3A_46] : memref<10240x128xf32, #tpu.memory_space<vmem_shared>> -> memref<128x128xf32, #tpu.memory_space<vmem_shared>>
      tpu.wait_dma2 semaphore(%run_scoped3A_41 : memref<!tpu.dma_semaphore, #tpu.memory_space<semaphore_mem>>) src(%arg15 : memref<128x128xf32, #tpu.memory_space<vmem>>) dst(%dma_wait3A_47 : memref<128x128xf32, #tpu.memory_space<vmem_shared>>)
      tpu.yield
    }) : () -> ()
    %add3A_30 = arith.constant 512 : i32
    %add3A_31 = arith.addi %mul3A_8, %add3A_30 : i32
    %run_scoped3A_32 = arith.constant 0 : i32
    "tpu.region"() ({
      %run_scoped3A_41 = tpu.sem_alloc : memref<!tpu.dma_semaphore, #tpu.memory_space<semaphore_mem>>
      %dma_start3A = arith.constant 0 : i32
      %dma_start3A_42 = tpu.memref_slice %arg15[%run_scoped3A_32, %dma_start3A] : memref<128x128xf32, #tpu.memory_space<vmem>> -> memref<1x128xf32, #tpu.memory_space<vmem>>
      %dma_start3A_43 = tpu.memref_squeeze %dma_start3A_42 : memref<1x128xf32, #tpu.memory_space<vmem>> -> memref<128xf32, #tpu.memory_space<vmem>>
      %dma_start3A_44 = tpu.memref_slice %arg18[%add3A_31] : memref<10240xf32, #tpu.memory_space<vmem_shared>> -> memref<128xf32, #tpu.memory_space<vmem_shared>>
      %dma_start3A_45 = tpu.memref_slice %arg18[%add3A_31] : memref<10240xf32, #tpu.memory_space<vmem_shared>> -> memref<128xf32, #tpu.memory_space<vmem_shared>>
      %dma_start3A_46 = arith.constant 0 : i32
      %dma_start3A_47 = tpu.memref_slice %arg15[%run_scoped3A_32, %dma_start3A_46] : memref<128x128xf32, #tpu.memory_space<vmem>> -> memref<1x128xf32, #tpu.memory_space<vmem>>
      %dma_start3A_48 = tpu.memref_squeeze %dma_start3A_47 : memref<1x128xf32, #tpu.memory_space<vmem>> -> memref<128xf32, #tpu.memory_space<vmem>>
      tpu.enqueue_dma source(%dma_start3A_48 : memref<128xf32, #tpu.memory_space<vmem>>) target(%dma_start3A_45 : memref<128xf32, #tpu.memory_space<vmem_shared>>) target_semaphore(%run_scoped3A_41 : memref<!tpu.dma_semaphore, #tpu.memory_space<semaphore_mem>>)
      %dma_wait3A = arith.constant 0 : i32
      %dma_wait3A_49 = tpu.memref_slice %arg15[%run_scoped3A_32, %dma_wait3A] : memref<128x128xf32, #tpu.memory_space<vmem>> -> memref<1x128xf32, #tpu.memory_space<vmem>>
      %dma_wait3A_50 = tpu.memref_squeeze %dma_wait3A_49 : memref<1x128xf32, #tpu.memory_space<vmem>> -> memref<128xf32, #tpu.memory_space<vmem>>
      %dma_wait3A_51 = tpu.memref_slice %arg18[%add3A_31] : memref<10240xf32, #tpu.memory_space<vmem_shared>> -> memref<128xf32, #tpu.memory_space<vmem_shared>>
      %dma_wait3A_52 = tpu.memref_slice %arg18[%add3A_31] : memref<10240xf32, #tpu.memory_space<vmem_shared>> -> memref<128xf32, #tpu.memory_space<vmem_shared>>
      %dma_wait3A_53 = arith.constant 0 : i32
      %dma_wait3A_54 = tpu.memref_slice %arg15[%run_scoped3A_32, %dma_wait3A_53] : memref<128x128xf32, #tpu.memory_space<vmem>> -> memref<1x128xf32, #tpu.memory_space<vmem>>
      %dma_wait3A_55 = tpu.memref_squeeze %dma_wait3A_54 : memref<1x128xf32, #tpu.memory_space<vmem>> -> memref<128xf32, #tpu.memory_space<vmem>>
      tpu.wait_dma2 semaphore(%run_scoped3A_41 : memref<!tpu.dma_semaphore, #tpu.memory_space<semaphore_mem>>) src(%dma_wait3A_55 : memref<128xf32, #tpu.memory_space<vmem>>) dst(%dma_wait3A_52 : memref<128xf32, #tpu.memory_space<vmem_shared>>)
      tpu.yield
    }) : () -> ()
    %barrier3A = arith.constant 0 : index
    tpu.barrier barrier_id(%barrier3A)
    %get3A = arith.constant 0 : index
    %get3A_33 = tpu.vector_load %arg14[%get3A] {strides = array<i32>} : memref<16xf32, #tpu.memory_space<vmem>>, vector<16xf32>,
    %scan3A_34 = arith.constant 0 : i32
    %scan3A_35 = arith.constant 0 : i32
    %scan3A_36 = arith.constant 79 : i32
    %scan3A_37 = arith.addi %scan3A_35, %scan3A_36 : i32
    %scan3A_38 = arith.constant 1 : i32
    scf.for %scan3A_41 = %scan3A_35 to %scan3A_37 step %scan3A_38  : i32 {
      "tpu.region"() ({
        %run_scoped3A_54 = tpu.sem_alloc : memref<!tpu.dma_semaphore, #tpu.memory_space<semaphore_mem>>
        %dma_start3A = arith.constant 0 : i32
        %dma_start3A_55 = tpu.memref_slice %arg6[%add3A, %scan3A_41, %dma_start3A] : memref<32x79x128xi32, #tpu.memory_space<hbm>> -> memref<1x1x128xi32, #tpu.memory_space<hbm>>
        %dma_start3A_56 = tpu.memref_squeeze %dma_start3A_55 : memref<1x1x128xi32, #tpu.memory_space<hbm>> -> memref<128xi32, #tpu.memory_space<hbm>>
        %dma_start3A_57 = arith.constant 0 : i32
        %dma_start3A_58 = tpu.memref_slice %arg6[%add3A, %scan3A_41, %dma_start3A_57] : memref<32x79x128xi32, #tpu.memory_space<hbm>> -> memref<1x1x128xi32, #tpu.memory_space<hbm>>
        %dma_start3A_59 = tpu.memref_squeeze %dma_start3A_58 : memref<1x1x128xi32, #tpu.memory_space<hbm>> -> memref<128xi32, #tpu.memory_space<hbm>>
        tpu.enqueue_dma source(%dma_start3A_59 : memref<128xi32, #tpu.memory_space<hbm>>) target(%arg10 : memref<128xi32, #tpu.memory_space<vmem>>) target_semaphore(%run_scoped3A_54 : memref<!tpu.dma_semaphore, #tpu.memory_space<semaphore_mem>>)
        %dma_wait3A = arith.constant 0 : i32
        %dma_wait3A_60 = tpu.memref_slice %arg6[%add3A, %scan3A_41, %dma_wait3A] : memref<32x79x128xi32, #tpu.memory_space<hbm>> -> memref<1x1x128xi32, #tpu.memory_space<hbm>>
        %dma_wait3A_61 = tpu.memref_squeeze %dma_wait3A_60 : memref<1x1x128xi32, #tpu.memory_space<hbm>> -> memref<128xi32, #tpu.memory_space<hbm>>
        %dma_wait3A_62 = arith.constant 0 : i32
        %dma_wait3A_63 = tpu.memref_slice %arg6[%add3A, %scan3A_41, %dma_wait3A_62] : memref<32x79x128xi32, #tpu.memory_space<hbm>> -> memref<1x1x128xi32, #tpu.memory_space<hbm>>
        %dma_wait3A_64 = tpu.memref_squeeze %dma_wait3A_63 : memref<1x1x128xi32, #tpu.memory_space<hbm>> -> memref<128xi32, #tpu.memory_space<hbm>>
        tpu.wait_dma2 semaphore(%run_scoped3A_54 : memref<!tpu.dma_semaphore, #tpu.memory_space<semaphore_mem>>) src(%dma_wait3A_64 : memref<128xi32, #tpu.memory_space<hbm>>) dst(%arg10 : memref<128xi32, #tpu.memory_space<vmem>>)
        tpu.yield
      }) : () -> ()
      "tpu.region"() ({
        %run_scoped3A_54 = tpu.sem_alloc : memref<!tpu.dma_semaphore, #tpu.memory_space<semaphore_mem>>
        %dma_start3A = arith.constant 0 : i32
        %dma_start3A_55 = tpu.memref_slice %arg7[%add3A, %scan3A_41, %dma_start3A] : memref<32x79x128xi32, #tpu.memory_space<hbm>> -> memref<1x1x128xi32, #tpu.memory_space<hbm>>
        %dma_start3A_56 = tpu.memref_squeeze %dma_start3A_55 : memref<1x1x128xi32, #tpu.memory_space<hbm>> -> memref<128xi32, #tpu.memory_space<hbm>>
        %dma_start3A_57 = arith.constant 0 : i32
        %dma_start3A_58 = tpu.memref_slice %arg7[%add3A, %scan3A_41, %dma_start3A_57] : memref<32x79x128xi32, #tpu.memory_space<hbm>> -> memref<1x1x128xi32, #tpu.memory_space<hbm>>
        %dma_start3A_59 = tpu.memref_squeeze %dma_start3A_58 : memref<1x1x128xi32, #tpu.memory_space<hbm>> -> memref<128xi32, #tpu.memory_space<hbm>>
        tpu.enqueue_dma source(%dma_start3A_59 : memref<128xi32, #tpu.memory_space<hbm>>) target(%arg11 : memref<128xi32, #tpu.memory_space<vmem>>) target_semaphore(%run_scoped3A_54 : memref<!tpu.dma_semaphore, #tpu.memory_space<semaphore_mem>>)
        %dma_wait3A = arith.constant 0 : i32
        %dma_wait3A_60 = tpu.memref_slice %arg7[%add3A, %scan3A_41, %dma_wait3A] : memref<32x79x128xi32, #tpu.memory_space<hbm>> -> memref<1x1x128xi32, #tpu.memory_space<hbm>>
        %dma_wait3A_61 = tpu.memref_squeeze %dma_wait3A_60 : memref<1x1x128xi32, #tpu.memory_space<hbm>> -> memref<128xi32, #tpu.memory_space<hbm>>
        %dma_wait3A_62 = arith.constant 0 : i32
        %dma_wait3A_63 = tpu.memref_slice %arg7[%add3A, %scan3A_41, %dma_wait3A_62] : memref<32x79x128xi32, #tpu.memory_space<hbm>> -> memref<1x1x128xi32, #tpu.memory_space<hbm>>
        %dma_wait3A_64 = tpu.memref_squeeze %dma_wait3A_63 : memref<1x1x128xi32, #tpu.memory_space<hbm>> -> memref<128xi32, #tpu.memory_space<hbm>>
        tpu.wait_dma2 semaphore(%run_scoped3A_54 : memref<!tpu.dma_semaphore, #tpu.memory_space<semaphore_mem>>) src(%dma_wait3A_64 : memref<128xi32, #tpu.memory_space<hbm>>) dst(%arg11 : memref<128xi32, #tpu.memory_space<vmem>>)
        tpu.yield
      }) : () -> ()
      "tpu.region"() ({
        %run_scoped3A_54 = tpu.sem_alloc : memref<!tpu.dma_semaphore, #tpu.memory_space<semaphore_mem>>
        %dma_start3A = arith.constant 0 : i32
        %dma_start3A_55 = tpu.memref_slice %arg3[%dma_start3A] : memref<10240xf32, #tpu.memory_space<hbm>> -> memref<10240xf32, #tpu.memory_space<hbm>>
        tpu.enqueue_indirect_dma source(%dma_start3A_55 : memref<10240xf32, #tpu.memory_space<hbm>>) target(%arg12 : memref<128xf32, #tpu.memory_space<vmem>>) offsets(%arg10 : memref<128xi32, #tpu.memory_space<vmem>>) semaphore(%run_scoped3A_54 : memref<!tpu.dma_semaphore, #tpu.memory_space<semaphore_mem>>)
        %dma_wait3A = arith.constant 0 : i32
        %dma_wait3A_56 = tpu.memref_slice %arg3[%dma_wait3A] : memref<10240xf32, #tpu.memory_space<hbm>> -> memref<10240xf32, #tpu.memory_space<hbm>>
        tpu.wait_indirect_dma semaphore(%run_scoped3A_54 : memref<!tpu.dma_semaphore, #tpu.memory_space<semaphore_mem>>) src(%dma_wait3A_56 : memref<10240xf32, #tpu.memory_space<hbm>>) dst(%arg12 : memref<128xf32, #tpu.memory_space<vmem>>)
        tpu.yield
      }) : () -> ()
      "tpu.region"() ({
        %run_scoped3A_54 = tpu.sem_alloc : memref<!tpu.dma_semaphore, #tpu.memory_space<semaphore_mem>>
        %dma_start3A = arith.constant 0 : i32
        %dma_start3A_55 = tpu.memref_slice %arg4[%dma_start3A] : memref<10240xf32, #tpu.memory_space<hbm>> -> memref<10240xf32, #tpu.memory_space<hbm>>
        tpu.enqueue_indirect_dma source(%dma_start3A_55 : memref<10240xf32, #tpu.memory_space<hbm>>) target(%arg13 : memref<128xf32, #tpu.memory_space<vmem>>) offsets(%arg11 : memref<128xi32, #tpu.memory_space<vmem>>) semaphore(%run_scoped3A_54 : memref<!tpu.dma_semaphore, #tpu.memory_space<semaphore_mem>>)
        %dma_wait3A = arith.constant 0 : i32
        %dma_wait3A_56 = tpu.memref_slice %arg4[%dma_wait3A] : memref<10240xf32, #tpu.memory_space<hbm>> -> memref<10240xf32, #tpu.memory_space<hbm>>
        tpu.wait_indirect_dma semaphore(%run_scoped3A_54 : memref<!tpu.dma_semaphore, #tpu.memory_space<semaphore_mem>>) src(%dma_wait3A_56 : memref<10240xf32, #tpu.memory_space<hbm>>) dst(%arg13 : memref<128xf32, #tpu.memory_space<vmem>>)
        tpu.yield
      }) : () -> ()
      "tpu.region"() ({
        %run_scoped3A_54 = tpu.sem_alloc : memref<!tpu.dma_semaphore, #tpu.memory_space<semaphore_mem>>
        %dma_start3A = arith.constant 0 : i32
        %dma_start3A_55 = arith.constant 0 : i32
        %dma_start3A_56 = tpu.memref_slice %arg2[%dma_start3A, %dma_start3A_55] : memref<10240x128xf32, #tpu.memory_space<hbm>> -> memref<10240x128xf32, #tpu.memory_space<hbm>>
        tpu.enqueue_indirect_dma source(%dma_start3A_56 : memref<10240x128xf32, #tpu.memory_space<hbm>>) target(%arg15 : memref<128x128xf32, #tpu.memory_space<vmem>>) offsets(%arg10 : memref<128xi32, #tpu.memory_space<vmem>>) semaphore(%run_scoped3A_54 : memref<!tpu.dma_semaphore, #tpu.memory_space<semaphore_mem>>)
        %dma_wait3A = arith.constant 0 : i32
        %dma_wait3A_57 = arith.constant 0 : i32
        %dma_wait3A_58 = tpu.memref_slice %arg2[%dma_wait3A, %dma_wait3A_57] : memref<10240x128xf32, #tpu.memory_space<hbm>> -> memref<10240x128xf32, #tpu.memory_space<hbm>>
        tpu.wait_indirect_dma semaphore(%run_scoped3A_54 : memref<!tpu.dma_semaphore, #tpu.memory_space<semaphore_mem>>) src(%dma_wait3A_58 : memref<10240x128xf32, #tpu.memory_space<hbm>>) dst(%arg15 : memref<128x128xf32, #tpu.memory_space<vmem>>)
        tpu.yield
      }) : () -> ()
      %scan3A_42 = arith.constant 0 : i32
      %scan3A_43 = arith.constant 0 : i32
      %scan3A_44 = arith.constant 8 : i32
      %scan3A_45 = arith.addi %scan3A_43, %scan3A_44 : i32
      %scan3A_46 = arith.constant 1 : i32
      scf.for %scan3A_54 = %scan3A_43 to %scan3A_45 step %scan3A_46  : i32 {
        %mul3A_55 = arith.constant 16 : i32
        %mul3A_56 = arith.muli %scan3A_54, %mul3A_55 : i32
        %get3A_57 = arith.index_cast %mul3A_56 : i32 to index
        %get3A_58 = tpu.vector_load %arg12[%get3A_57] {strides = array<i32>} : memref<128xf32, #tpu.memory_space<vmem>>, vector<16xf32>,
        %get3A_59 = arith.index_cast %mul3A_56 : i32 to index
        %get3A_60 = tpu.vector_load %arg13[%get3A_59] {strides = array<i32>} : memref<128xf32, #tpu.memory_space<vmem>>, vector<16xf32>,
        %add3A_61 = arith.addf %get3A_58, %get3A_60 : vector<16xf32>
        %ge3A = arith.constant 0.000000e+00 : f32
        %ge3A_62 = vector.broadcast %ge3A : f32 to vector<16xf32>
        %ge3A_63 = arith.cmpf oge, %add3A_61, %ge3A_62 : vector<16xf32>
        %mul3A_64 = arith.constant 2.000000e-01 : f32
        %mul3A_65 = vector.broadcast %mul3A_64 : f32 to vector<16xf32>
        %mul3A_66 = arith.mulf %mul3A_65, %add3A_61 : vector<16xf32>
        %select_n3A = arith.select %ge3A_63, %add3A_61, %mul3A_66 : vector<16xi1>, vector<16xf32>
        %sub3A = arith.subf %select_n3A, %get3A_33 : vector<16xf32>
        %exp3A = math.exp %sub3A : vector<16xf32>
        %swap3A = arith.index_cast %mul3A_56 : i32 to index
        %swap3A_67 = tpu.vector_load %arg16[%swap3A] {strides = array<i32>} : memref<128xf32, #tpu.memory_space<vmem>>, vector<16xf32>,
        tpu.vector_store %arg16[%swap3A], %exp3A {strides = array<i32>} : memref<128xf32, #tpu.memory_space<vmem>>, vector<16xf32>,
      }
      %scan3A_47 = arith.constant 8 : i32
      %scan3A_48 = arith.constant 0 : i32
      %scan3A_49 = arith.constant 0 : i32
      %scan3A_50 = arith.constant 128 : i32
      %scan3A_51 = arith.addi %scan3A_49, %scan3A_50 : i32
      %scan3A_52 = arith.constant 1 : i32
      scf.for %scan3A_54 = %scan3A_49 to %scan3A_51 step %scan3A_52  : i32 {
        %broadcast_in_dim3A_55 = vector.broadcast %scan3A_54 : i32 to vector<16xi32>
        %gather3A = tpu.vector_load_idx %arg16[%broadcast_in_dim3A_55] : memref<128xf32, #tpu.memory_space<vmem>>[vector<16xi32>], vector<16xf32>,
        %get3A_56 = arith.index_cast %scan3A_54 : i32 to index
        %get3A_57 = arith.constant 0 : index
        %get3A_58 = tpu.vector_load %arg15[%get3A_56, %get3A_57] {strides = array<i32>} : memref<128x128xf32, #tpu.memory_space<vmem>>, vector<16xf32>,
        %mul3A_59 = arith.mulf %get3A_58, %gather3A : vector<16xf32>
        %swap3A = arith.index_cast %scan3A_54 : i32 to index
        %swap3A_60 = arith.constant 0 : index
        %swap3A_61 = tpu.vector_load %arg15[%swap3A, %swap3A_60] {strides = array<i32>} : memref<128x128xf32, #tpu.memory_space<vmem>>, vector<16xf32>,
        tpu.vector_store %arg15[%swap3A, %swap3A_60], %mul3A_59 {strides = array<i32>} : memref<128x128xf32, #tpu.memory_space<vmem>>, vector<16xf32>,
        %get3A_62 = arith.index_cast %scan3A_54 : i32 to index
        %get3A_63 = arith.constant 16 : index
        %get3A_64 = tpu.vector_load %arg15[%get3A_62, %get3A_63] {strides = array<i32>} : memref<128x128xf32, #tpu.memory_space<vmem>>, vector<16xf32>,
        %mul3A_65 = arith.mulf %get3A_64, %gather3A : vector<16xf32>
        %swap3A_66 = arith.index_cast %scan3A_54 : i32 to index
        %swap3A_67 = arith.constant 16 : index
        %swap3A_68 = tpu.vector_load %arg15[%swap3A_66, %swap3A_67] {strides = array<i32>} : memref<128x128xf32, #tpu.memory_space<vmem>>, vector<16xf32>,
        tpu.vector_store %arg15[%swap3A_66, %swap3A_67], %mul3A_65 {strides = array<i32>} : memref<128x128xf32, #tpu.memory_space<vmem>>, vector<16xf32>,
        %get3A_69 = arith.index_cast %scan3A_54 : i32 to index
        %get3A_70 = arith.constant 32 : index
        %get3A_71 = tpu.vector_load %arg15[%get3A_69, %get3A_70] {strides = array<i32>} : memref<128x128xf32, #tpu.memory_space<vmem>>, vector<16xf32>,
        %mul3A_72 = arith.mulf %get3A_71, %gather3A : vector<16xf32>
        %swap3A_73 = arith.index_cast %scan3A_54 : i32 to index
        %swap3A_74 = arith.constant 32 : index
        %swap3A_75 = tpu.vector_load %arg15[%swap3A_73, %swap3A_74] {strides = array<i32>} : memref<128x128xf32, #tpu.memory_space<vmem>>, vector<16xf32>,
        tpu.vector_store %arg15[%swap3A_73, %swap3A_74], %mul3A_72 {strides = array<i32>} : memref<128x128xf32, #tpu.memory_space<vmem>>, vector<16xf32>,
        %get3A_76 = arith.index_cast %scan3A_54 : i32 to index
        %get3A_77 = arith.constant 48 : index
        %get3A_78 = tpu.vector_load %arg15[%get3A_76, %get3A_77] {strides = array<i32>} : memref<128x128xf32, #tpu.memory_space<vmem>>, vector<16xf32>,
        %mul3A_79 = arith.mulf %get3A_78, %gather3A : vector<16xf32>
        %swap3A_80 = arith.index_cast %scan3A_54 : i32 to index
        %swap3A_81 = arith.constant 48 : index
        %swap3A_82 = tpu.vector_load %arg15[%swap3A_80, %swap3A_81] {strides = array<i32>} : memref<128x128xf32, #tpu.memory_space<vmem>>, vector<16xf32>,
        tpu.vector_store %arg15[%swap3A_80, %swap3A_81], %mul3A_79 {strides = array<i32>} : memref<128x128xf32, #tpu.memory_space<vmem>>, vector<16xf32>,
        %get3A_83 = arith.index_cast %scan3A_54 : i32 to index
        %get3A_84 = arith.constant 64 : index
        %get3A_85 = tpu.vector_load %arg15[%get3A_83, %get3A_84] {strides = array<i32>} : memref<128x128xf32, #tpu.memory_space<vmem>>, vector<16xf32>,
        %mul3A_86 = arith.mulf %get3A_85, %gather3A : vector<16xf32>
        %swap3A_87 = arith.index_cast %scan3A_54 : i32 to index
        %swap3A_88 = arith.constant 64 : index
        %swap3A_89 = tpu.vector_load %arg15[%swap3A_87, %swap3A_88] {strides = array<i32>} : memref<128x128xf32, #tpu.memory_space<vmem>>, vector<16xf32>,
        tpu.vector_store %arg15[%swap3A_87, %swap3A_88], %mul3A_86 {strides = array<i32>} : memref<128x128xf32, #tpu.memory_space<vmem>>, vector<16xf32>,
        %get3A_90 = arith.index_cast %scan3A_54 : i32 to index
        %get3A_91 = arith.constant 80 : index
        %get3A_92 = tpu.vector_load %arg15[%get3A_90, %get3A_91] {strides = array<i32>} : memref<128x128xf32, #tpu.memory_space<vmem>>, vector<16xf32>,
        %mul3A_93 = arith.mulf %get3A_92, %gather3A : vector<16xf32>
        %swap3A_94 = arith.index_cast %scan3A_54 : i32 to index
        %swap3A_95 = arith.constant 80 : index
        %swap3A_96 = tpu.vector_load %arg15[%swap3A_94, %swap3A_95] {strides = array<i32>} : memref<128x128xf32, #tpu.memory_space<vmem>>, vector<16xf32>,
        tpu.vector_store %arg15[%swap3A_94, %swap3A_95], %mul3A_93 {strides = array<i32>} : memref<128x128xf32, #tpu.memory_space<vmem>>, vector<16xf32>,
        %get3A_97 = arith.index_cast %scan3A_54 : i32 to index
        %get3A_98 = arith.constant 96 : index
        %get3A_99 = tpu.vector_load %arg15[%get3A_97, %get3A_98] {strides = array<i32>} : memref<128x128xf32, #tpu.memory_space<vmem>>, vector<16xf32>,
        %mul3A_100 = arith.mulf %get3A_99, %gather3A : vector<16xf32>
        %swap3A_101 = arith.index_cast %scan3A_54 : i32 to index
        %swap3A_102 = arith.constant 96 : index
        %swap3A_103 = tpu.vector_load %arg15[%swap3A_101, %swap3A_102] {strides = array<i32>} : memref<128x128xf32, #tpu.memory_space<vmem>>, vector<16xf32>,
        tpu.vector_store %arg15[%swap3A_101, %swap3A_102], %mul3A_100 {strides = array<i32>} : memref<128x128xf32, #tpu.memory_space<vmem>>, vector<16xf32>,
        %get3A_104 = arith.index_cast %scan3A_54 : i32 to index
        %get3A_105 = arith.constant 112 : index
        %get3A_106 = tpu.vector_load %arg15[%get3A_104, %get3A_105] {strides = array<i32>} : memref<128x128xf32, #tpu.memory_space<vmem>>, vector<16xf32>,
        %mul3A_107 = arith.mulf %get3A_106, %gather3A : vector<16xf32>
        %swap3A_108 = arith.index_cast %scan3A_54 : i32 to index
        %swap3A_109 = arith.constant 112 : index
        %swap3A_110 = tpu.vector_load %arg15[%swap3A_108, %swap3A_109] {strides = array<i32>} : memref<128x128xf32, #tpu.memory_space<vmem>>, vector<16xf32>,
        tpu.vector_store %arg15[%swap3A_108, %swap3A_109], %mul3A_107 {strides = array<i32>} : memref<128x128xf32, #tpu.memory_space<vmem>>, vector<16xf32>,
      }
      %scan3A_53 = arith.constant 128 : i32
      "tpu.region"() ({
        %run_scoped3A_54 = tpu.sem_alloc : memref<!tpu.dma_semaphore, #tpu.memory_space<semaphore_mem>>
        %dma_start3A = arith.constant 0 : i32
        %dma_start3A_55 = arith.constant 0 : i32
        %dma_start3A_56 = tpu.memref_slice %arg17[%dma_start3A, %dma_start3A_55] : memref<10240x128xf32, #tpu.memory_space<vmem_shared>> -> memref<10240x128xf32, #tpu.memory_space<vmem_shared>>
        tpu.enqueue_indirect_dma source(%arg15 : memref<128x128xf32, #tpu.memory_space<vmem>>) target(%dma_start3A_56 : memref<10240x128xf32, #tpu.memory_space<vmem_shared>>) offsets(%arg11 : memref<128xi32, #tpu.memory_space<vmem>>) semaphore(%run_scoped3A_54 : memref<!tpu.dma_semaphore, #tpu.memory_space<semaphore_mem>>) {add = true}
        %dma_wait3A = arith.constant 0 : i32
        %dma_wait3A_57 = arith.constant 0 : i32
        %dma_wait3A_58 = tpu.memref_slice %arg17[%dma_wait3A, %dma_wait3A_57] : memref<10240x128xf32, #tpu.memory_space<vmem_shared>> -> memref<10240x128xf32, #tpu.memory_space<vmem_shared>>
        tpu.wait_indirect_dma semaphore(%run_scoped3A_54 : memref<!tpu.dma_semaphore, #tpu.memory_space<semaphore_mem>>) src(%arg15 : memref<128x128xf32, #tpu.memory_space<vmem>>) dst(%dma_wait3A_58 : memref<10240x128xf32, #tpu.memory_space<vmem_shared>>)
        tpu.yield
      }) : () -> ()
      "tpu.region"() ({
        %run_scoped3A_54 = tpu.sem_alloc : memref<!tpu.dma_semaphore, #tpu.memory_space<semaphore_mem>>
        %dma_start3A = arith.constant 0 : i32
        %dma_start3A_55 = tpu.memref_slice %arg18[%dma_start3A] : memref<10240xf32, #tpu.memory_space<vmem_shared>> -> memref<10240xf32, #tpu.memory_space<vmem_shared>>
        tpu.enqueue_indirect_dma source(%arg16 : memref<128xf32, #tpu.memory_space<vmem>>) target(%dma_start3A_55 : memref<10240xf32, #tpu.memory_space<vmem_shared>>) offsets(%arg11 : memref<128xi32, #tpu.memory_space<vmem>>) semaphore(%run_scoped3A_54 : memref<!tpu.dma_semaphore, #tpu.memory_space<semaphore_mem>>) {add = true}
        %dma_wait3A = arith.constant 0 : i32
        %dma_wait3A_56 = tpu.memref_slice %arg18[%dma_wait3A] : memref<10240xf32, #tpu.memory_space<vmem_shared>> -> memref<10240xf32, #tpu.memory_space<vmem_shared>>
        tpu.wait_indirect_dma semaphore(%run_scoped3A_54 : memref<!tpu.dma_semaphore, #tpu.memory_space<semaphore_mem>>) src(%arg16 : memref<128xf32, #tpu.memory_space<vmem>>) dst(%dma_wait3A_56 : memref<10240xf32, #tpu.memory_space<vmem_shared>>)
        tpu.yield
      }) : () -> ()
    }
    %scan3A_39 = arith.constant 79 : i32
    %barrier3A_40 = arith.constant 0 : index
    tpu.barrier barrier_id(%barrier3A_40)
    "tpu.region"() ({
      %run_scoped3A_41 = tpu.sem_alloc : memref<!tpu.dma_semaphore, #tpu.memory_space<semaphore_mem>>
      %dma_start3A = arith.constant 0 : i32
      %dma_start3A_42 = tpu.memref_slice %arg8[%arg0, %mul3A_8, %dma_start3A] : memref<2x10240x128xf32, #tpu.memory_space<hbm>> -> memref<1x640x128xf32, #tpu.memory_space<hbm>>
      %dma_start3A_43 = tpu.memref_squeeze %dma_start3A_42 : memref<1x640x128xf32, #tpu.memory_space<hbm>> -> memref<640x128xf32, #tpu.memory_space<hbm>>
      %dma_start3A_44 = arith.constant 0 : i32
      %dma_start3A_45 = tpu.memref_slice %arg17[%mul3A_8, %dma_start3A_44] : memref<10240x128xf32, #tpu.memory_space<vmem_shared>> -> memref<640x128xf32, #tpu.memory_space<vmem_shared>>
      tpu.enqueue_dma source(%dma_start3A_45 : memref<640x128xf32, #tpu.memory_space<vmem_shared>>) target(%dma_start3A_43 : memref<640x128xf32, #tpu.memory_space<hbm>>) target_semaphore(%run_scoped3A_41 : memref<!tpu.dma_semaphore, #tpu.memory_space<semaphore_mem>>)
      %dma_wait3A = arith.constant 0 : i32
      %dma_wait3A_46 = tpu.memref_slice %arg8[%arg0, %mul3A_8, %dma_wait3A] : memref<2x10240x128xf32, #tpu.memory_space<hbm>> -> memref<1x640x128xf32, #tpu.memory_space<hbm>>
      %dma_wait3A_47 = tpu.memref_squeeze %dma_wait3A_46 : memref<1x640x128xf32, #tpu.memory_space<hbm>> -> memref<640x128xf32, #tpu.memory_space<hbm>>
      %dma_wait3A_48 = arith.constant 0 : i32
      %dma_wait3A_49 = tpu.memref_slice %arg17[%mul3A_8, %dma_wait3A_48] : memref<10240x128xf32, #tpu.memory_space<vmem_shared>> -> memref<640x128xf32, #tpu.memory_space<vmem_shared>>
      tpu.wait_dma2 semaphore(%run_scoped3A_41 : memref<!tpu.dma_semaphore, #tpu.memory_space<semaphore_mem>>) src(%dma_wait3A_49 : memref<640x128xf32, #tpu.memory_space<vmem_shared>>) dst(%dma_wait3A_47 : memref<640x128xf32, #tpu.memory_space<hbm>>)
      tpu.yield
    }) : () -> ()
    "tpu.region"() ({
      %run_scoped3A_41 = tpu.sem_alloc : memref<!tpu.dma_semaphore, #tpu.memory_space<semaphore_mem>>
      %dma_start3A = tpu.memref_slice %arg9[%arg0, %mul3A_8] : memref<2x10240xf32, #tpu.memory_space<hbm>> -> memref<1x640xf32, #tpu.memory_space<hbm>>
      %dma_start3A_42 = tpu.memref_squeeze %dma_start3A : memref<1x640xf32, #tpu.memory_space<hbm>> -> memref<640xf32, #tpu.memory_space<hbm>>
      %dma_start3A_43 = tpu.memref_slice %arg18[%mul3A_8] : memref<10240xf32, #tpu.memory_space<vmem_shared>> -> memref<640xf32, #tpu.memory_space<vmem_shared>>
      tpu.enqueue_dma source(%dma_start3A_43 : memref<640xf32, #tpu.memory_space<vmem_shared>>) target(%dma_start3A_42 : memref<640xf32, #tpu.memory_space<hbm>>) target_semaphore(%run_scoped3A_41 : memref<!tpu.dma_semaphore, #tpu.memory_space<semaphore_mem>>)
      %dma_wait3A = tpu.memref_slice %arg9[%arg0, %mul3A_8] : memref<2x10240xf32, #tpu.memory_space<hbm>> -> memref<1x640xf32, #tpu.memory_space<hbm>>
      %dma_wait3A_44 = tpu.memref_squeeze %dma_wait3A : memref<1x640xf32, #tpu.memory_space<hbm>> -> memref<640xf32, #tpu.memory_space<hbm>>
      %dma_wait3A_45 = tpu.memref_slice %arg18[%mul3A_8] : memref<10240xf32, #tpu.memory_space<vmem_shared>> -> memref<640xf32, #tpu.memory_space<vmem_shared>>
      tpu.wait_dma2 semaphore(%run_scoped3A_41 : memref<!tpu.dma_semaphore, #tpu.memory_space<semaphore_mem>>) src(%dma_wait3A_45 : memref<640xf32, #tpu.memory_space<vmem_shared>>) dst(%dma_wait3A_44 : memref<640xf32, #tpu.memory_space<hbm>>)
      tpu.yield
    }) : () -> ()
    return
  }
}

module attributes {stable_mosaic.version = 14 : i64} {
  func.func @_head_body(%arg0: i32, %arg1: memref<512x128xf32, #tpu.memory_space<vmem>>, %arg2: memref<128x128xf32, #tpu.memory_space<vmem>>, %arg3: memref<1x128xf32, #tpu.memory_space<vmem>>, %arg4: memref<1x128xf32, #tpu.memory_space<vmem>>, %arg5: memref<512x128xf32, #tpu.memory_space<vmem>>, %arg6: memref<1x512xf32, #tpu.memory_space<vmem>>, %arg7: memref<1x512xf32, #tpu.memory_space<vmem>>, %arg8: memref<1x16xf32, #tpu.memory_space<vmem>>, %arg9: memref<2xf32, #tpu.memory_space<smem>>) attributes {dimension_semantics = [#tpu.dimension_semantics<arbitrary>], iteration_bounds = array<i64: 20>, scalar_prefetch = 0 : i64, scratch_operands = 1 : i64, tpu.core_type = #tpu.core_type<tc>, window_params = [{transform_indices = @transform_0, window_bounds = array<i64: 512, 128>}, {pipeline_mode = #tpu.pipeline_mode<synchronous>, transform_indices = @transform_1, window_bounds = array<i64: 128, 128>}, {pipeline_mode = #tpu.pipeline_mode<synchronous>, transform_indices = @transform_2, window_bounds = array<i64: 1, 128>}, {pipeline_mode = #tpu.pipeline_mode<synchronous>, transform_indices = @transform_3, window_bounds = array<i64: 1, 128>}, {transform_indices = @transform_4, window_bounds = array<i64: 512, 128>}, {transform_indices = @transform_5, window_bounds = array<i64: 1, 512>}, {transform_indices = @transform_6, window_bounds = array<i64: 1, 512>}, {pipeline_mode = #tpu.pipeline_mode<synchronous>, transform_indices = @transform_7, window_bounds = array<i64: 1, 16>}]} {
    %get3A = arith.constant 0 : index
    %get3A_0 = arith.constant 0 : index
    %get3A_1 = vector.load %arg1[%get3A, %get3A_0] : memref<512x128xf32, #tpu.memory_space<vmem>>, vector<512x128xf32>
    %get3A_2 = arith.constant 0 : index
    %get3A_3 = arith.constant 0 : index
    %get3A_4 = vector.load %arg2[%get3A_2, %get3A_3] : memref<128x128xf32, #tpu.memory_space<vmem>>, vector<128x128xf32>
    %dot_general3A = arith.constant dense<0.000000e+00> : vector<512x128xf32>
    %dot_general3A_5 = tpu.matmul %get3A_1, %get3A_4, %dot_general3A {dimension_numbers = #tpu.dot_dimension_numbers<[1], [0], [0], [1], [0, 0, 1, 1], [], []>, transpose_lhs_hint = false} : vector<512x128xf32>, vector<128x128xf32>, vector<512x128xf32> -> vector<512x128xf32>
    %get3A_6 = arith.constant 0 : index
    %get3A_7 = arith.constant 0 : index
    %get3A_8 = vector.load %arg3[%get3A_6, %get3A_7] : memref<1x128xf32, #tpu.memory_space<vmem>>, vector<1x128xf32>
    %mul3A = vector.broadcast %get3A_8 : vector<1x128xf32> to vector<512x128xf32>
    %mul3A_9 = arith.mulf %dot_general3A_5, %mul3A : vector<512x128xf32>
    %reduce_sum3A = arith.constant dense<0.000000e+00> : vector<512xf32>
    %reduce_sum3A_10 = vector.multi_reduction <add>, %mul3A_9, %reduce_sum3A [1] : vector<512x128xf32> to vector<512xf32>
    %get3A_11 = arith.constant 0 : index
    %get3A_12 = arith.constant 0 : index
    %get3A_13 = vector.load %arg4[%get3A_11, %get3A_12] : memref<1x128xf32, #tpu.memory_space<vmem>>, vector<1x128xf32>
    %mul3A_14 = vector.broadcast %get3A_13 : vector<1x128xf32> to vector<512x128xf32>
    %mul3A_15 = arith.mulf %dot_general3A_5, %mul3A_14 : vector<512x128xf32>
    %reduce_sum3A_16 = arith.constant dense<0.000000e+00> : vector<512xf32>
    %reduce_sum3A_17 = vector.multi_reduction <add>, %mul3A_15, %reduce_sum3A_16 [1] : vector<512x128xf32> to vector<512xf32>
    %mul3A_18 = arith.constant 512 : i32
    %mul3A_19 = arith.muli %arg0, %mul3A_18 : i32
    %iota3A = tpu.iota {dimensions = array<i32: 1>} : vector<1x512xi32>
    %iota3A_20 = vector.shape_cast %iota3A : vector<1x512xi32> to vector<512xi32>
    %add3A = vector.broadcast %mul3A_19 : i32 to vector<512xi32>
    %add3A_21 = arith.addi %add3A, %iota3A_20 : vector<512xi32>
    %lt3A = arith.constant 10000 : i32
    %lt3A_22 = vector.broadcast %lt3A : i32 to vector<512xi32>
    %lt3A_23 = arith.cmpi slt, %add3A_21, %lt3A_22 : vector<512xi32>
    %jit3A = arith.constant -1.000000e+30 : f32
    %broadcast_in_dim3A = vector.broadcast %jit3A : f32 to vector<512xf32>
    %select_n3A = arith.select %lt3A_23, %reduce_sum3A_10, %broadcast_in_dim3A : vector<512xi1>, vector<512xf32>
    %jit3A_24 = arith.constant -1.000000e+30 : f32
    %broadcast_in_dim3A_25 = vector.broadcast %jit3A_24 : f32 to vector<512xf32>
    %select_n3A_26 = arith.select %lt3A_23, %reduce_sum3A_17, %broadcast_in_dim3A_25 : vector<512xi1>, vector<512xf32>
    %swap3A = arith.constant 0 : index
    %swap3A_27 = arith.constant 0 : index
    %swap3A_28 = vector.load %arg5[%swap3A, %swap3A_27] : memref<512x128xf32, #tpu.memory_space<vmem>>, vector<512x128xf32>
    tpu.vector_store %arg5[%swap3A, %swap3A_27], %dot_general3A_5 {strides = array<i32>} : memref<512x128xf32, #tpu.memory_space<vmem>>, vector<512x128xf32>,
    %reshape3A = vector.shape_cast %select_n3A : vector<512xf32> to vector<1x512xf32>
    %swap3A_29 = arith.constant 0 : index
    %swap3A_30 = arith.constant 0 : index
    %swap3A_31 = vector.load %arg6[%swap3A_29, %swap3A_30] : memref<1x512xf32, #tpu.memory_space<vmem>>, vector<1x512xf32>
    tpu.vector_store %arg6[%swap3A_29, %swap3A_30], %reshape3A {strides = array<i32>} : memref<1x512xf32, #tpu.memory_space<vmem>>, vector<1x512xf32>,
    %reshape3A_32 = vector.shape_cast %select_n3A_26 : vector<512xf32> to vector<1x512xf32>
    %swap3A_33 = arith.constant 0 : index
    %swap3A_34 = arith.constant 0 : index
    %swap3A_35 = vector.load %arg7[%swap3A_33, %swap3A_34] : memref<1x512xf32, #tpu.memory_space<vmem>>, vector<1x512xf32>
    tpu.vector_store %arg7[%swap3A_33, %swap3A_34], %reshape3A_32 {strides = array<i32>} : memref<1x512xf32, #tpu.memory_space<vmem>>, vector<1x512xf32>,
    %eq3A = arith.constant 0 : i32
    %eq3A_36 = arith.cmpi eq, %arg0, %eq3A : i32
    %convert_element_type3A = arith.extui %eq3A_36 : i1 to i32
    %cond3A = arith.constant 0 : i32
    %cond3A_37 = arith.cmpi ne, %convert_element_type3A, %cond3A : i32
    scf.if %cond3A_37 {
      %swap3A_61 = arith.constant -1.000000e+30 : f32
      %swap3A_62 = arith.constant 0 : index
      %swap3A_63 = memref.load %arg9[%swap3A_62] : memref<2xf32, #tpu.memory_space<smem>>
      memref.store %swap3A_61, %arg9[%swap3A_62] : memref<2xf32, #tpu.memory_space<smem>>
      %swap3A_64 = arith.constant -1.000000e+30 : f32
      %swap3A_65 = arith.constant 1 : index
      %swap3A_66 = memref.load %arg9[%swap3A_65] : memref<2xf32, #tpu.memory_space<smem>>
      memref.store %swap3A_64, %arg9[%swap3A_65] : memref<2xf32, #tpu.memory_space<smem>>
    } else {
    }
    %get3A_38 = arith.constant 0 : index
    %get3A_39 = memref.load %arg9[%get3A_38] : memref<2xf32, #tpu.memory_space<smem>>
    %reduce_max3A = vector.shape_cast %select_n3A : vector<512xf32> to vector<1x512xf32>
    %reduce_max3A_40 = arith.constant dense<0xFF800000> : vector<1xf32>
    %reduce_max3A_41 = vector.multi_reduction <maximumf>, %reduce_max3A, %reduce_max3A_40 [1] : vector<1x512xf32> to vector<1xf32>
    %reduce_max3A_42 = vector.shape_cast %reduce_max3A_41 : vector<1xf32> to vector<1x1xf32>
    %reduce_max3A_43 = vector.extract %reduce_max3A_42[0, 0] : f32 from vector<1x1xf32>
    %max3A = arith.maximumf %get3A_39, %reduce_max3A_43 : f32
    %swap3A_44 = arith.constant 0 : index
    %swap3A_45 = memref.load %arg9[%swap3A_44] : memref<2xf32, #tpu.memory_space<smem>>
    memref.store %max3A, %arg9[%swap3A_44] : memref<2xf32, #tpu.memory_space<smem>>
    %get3A_46 = arith.constant 1 : index
    %get3A_47 = memref.load %arg9[%get3A_46] : memref<2xf32, #tpu.memory_space<smem>>
    %reduce_max3A_48 = vector.shape_cast %select_n3A_26 : vector<512xf32> to vector<1x512xf32>
    %reduce_max3A_49 = arith.constant dense<0xFF800000> : vector<1xf32>
    %reduce_max3A_50 = vector.multi_reduction <maximumf>, %reduce_max3A_48, %reduce_max3A_49 [1] : vector<1x512xf32> to vector<1xf32>
    %reduce_max3A_51 = vector.shape_cast %reduce_max3A_50 : vector<1xf32> to vector<1x1xf32>
    %reduce_max3A_52 = vector.extract %reduce_max3A_51[0, 0] : f32 from vector<1x1xf32>
    %max3A_53 = arith.maximumf %get3A_47, %reduce_max3A_52 : f32
    %swap3A_54 = arith.constant 1 : index
    %swap3A_55 = memref.load %arg9[%swap3A_54] : memref<2xf32, #tpu.memory_space<smem>>
    memref.store %max3A_53, %arg9[%swap3A_54] : memref<2xf32, #tpu.memory_space<smem>>
    %eq3A_56 = arith.constant 19 : i32
    %eq3A_57 = arith.cmpi eq, %arg0, %eq3A_56 : i32
    %convert_element_type3A_58 = arith.extui %eq3A_57 : i1 to i32
    %cond3A_59 = arith.constant 0 : i32
    %cond3A_60 = arith.cmpi ne, %convert_element_type3A_58, %cond3A_59 : i32
    scf.if %cond3A_60 {
      %get3A_61 = arith.constant 0 : index
      %get3A_62 = memref.load %arg9[%get3A_61] : memref<2xf32, #tpu.memory_space<smem>>
      %get3A_63 = arith.constant 1 : index
      %get3A_64 = memref.load %arg9[%get3A_63] : memref<2xf32, #tpu.memory_space<smem>>
      %add3A_65 = arith.addf %get3A_62, %get3A_64 : f32
      %max3A_66 = arith.constant 0.000000e+00 : f32
      %max3A_67 = arith.maximumf %add3A_65, %max3A_66 : f32
      %broadcast_in_dim3A_68 = vector.broadcast %max3A_67 : f32 to vector<1x16xf32>
      %swap3A_69 = arith.constant 0 : index
      %swap3A_70 = arith.constant 0 : index
      %swap3A_71 = vector.load %arg8[%swap3A_69, %swap3A_70] : memref<1x16xf32, #tpu.memory_space<vmem>>, vector<1x16xf32>
      tpu.vector_store %arg8[%swap3A_69, %swap3A_70], %broadcast_in_dim3A_68 {strides = array<i32>} : memref<1x16xf32, #tpu.memory_space<vmem>>, vector<1x16xf32>,
    } else {
    }
    return
  }
  func.func @transform_0(%arg0: i32) -> (i32, i32) {
    %c0_i32 = arith.constant 0 : i32
    %c0_i32_0 = arith.constant 0 : i32
    return %arg0, %c0_i32 : i32, i32
  }
  func.func @transform_1(%arg0: i32) -> (i32, i32) {
    %c0_i32 = arith.constant 0 : i32
    %c0_i32_0 = arith.constant 0 : i32
    %c0_i32_1 = arith.constant 0 : i32
    return %c0_i32, %c0_i32_0 : i32, i32
  }
  func.func @transform_2(%arg0: i32) -> (i32, i32) {
    %c0_i32 = arith.constant 0 : i32
    %c0_i32_0 = arith.constant 0 : i32
    %c0_i32_1 = arith.constant 0 : i32
    return %c0_i32, %c0_i32_0 : i32, i32
  }
  func.func @transform_3(%arg0: i32) -> (i32, i32) {
    %c0_i32 = arith.constant 0 : i32
    %c0_i32_0 = arith.constant 0 : i32
    %c0_i32_1 = arith.constant 0 : i32
    return %c0_i32, %c0_i32_0 : i32, i32
  }
  func.func @transform_4(%arg0: i32) -> (i32, i32) {
    %c0_i32 = arith.constant 0 : i32
    %c0_i32_0 = arith.constant 0 : i32
    return %arg0, %c0_i32 : i32, i32
  }
  func.func @transform_5(%arg0: i32) -> (i32, i32) {
    %c0_i32 = arith.constant 0 : i32
    %c0_i32_0 = arith.constant 0 : i32
    return %c0_i32, %arg0 : i32, i32
  }
  func.func @transform_6(%arg0: i32) -> (i32, i32) {
    %c0_i32 = arith.constant 0 : i32
    %c0_i32_0 = arith.constant 0 : i32
    return %c0_i32, %arg0 : i32, i32
  }
  func.func @transform_7(%arg0: i32) -> (i32, i32) {
    %c0_i32 = arith.constant 0 : i32
    %c0_i32_0 = arith.constant 0 : i32
    %c0_i32_1 = arith.constant 0 : i32
    return %c0_i32, %c0_i32_0 : i32, i32
  }
}

module attributes {stable_mosaic.version = 14 : i64} {
  func.func @_merge_head_body(%arg0: i32, %arg1: memref<2x512x128xf32, #tpu.memory_space<vmem>>, %arg2: memref<2x1x512xf32, #tpu.memory_space<vmem>>, %arg3: memref<1x128xf32, #tpu.memory_space<vmem>>, %arg4: memref<128x128xf32, #tpu.memory_space<vmem>>, %arg5: memref<1x128xf32, #tpu.memory_space<vmem>>, %arg6: memref<1x128xf32, #tpu.memory_space<vmem>>, %arg7: memref<512x128xf32, #tpu.memory_space<vmem>>, %arg8: memref<1x512xf32, #tpu.memory_space<vmem>>, %arg9: memref<1x512xf32, #tpu.memory_space<vmem>>, %arg10: memref<1x16xf32, #tpu.memory_space<vmem>>, %arg11: memref<2xf32, #tpu.memory_space<smem>>) attributes {dimension_semantics = [#tpu.dimension_semantics<arbitrary>], iteration_bounds = array<i64: 20>, scalar_prefetch = 0 : i64, scratch_operands = 1 : i64, tpu.core_type = #tpu.core_type<tc>, window_params = [{transform_indices = @transform_0, window_bounds = array<i64: 2, 512, 128>}, {transform_indices = @transform_1, window_bounds = array<i64: 2, 1, 512>}, {pipeline_mode = #tpu.pipeline_mode<synchronous>, transform_indices = @transform_2, window_bounds = array<i64: 1, 128>}, {pipeline_mode = #tpu.pipeline_mode<synchronous>, transform_indices = @transform_3, window_bounds = array<i64: 128, 128>}, {pipeline_mode = #tpu.pipeline_mode<synchronous>, transform_indices = @transform_4, window_bounds = array<i64: 1, 128>}, {pipeline_mode = #tpu.pipeline_mode<synchronous>, transform_indices = @transform_5, window_bounds = array<i64: 1, 128>}, {transform_indices = @transform_6, window_bounds = array<i64: 512, 128>}, {transform_indices = @transform_7, window_bounds = array<i64: 1, 512>}, {transform_indices = @transform_8, window_bounds = array<i64: 1, 512>}, {pipeline_mode = #tpu.pipeline_mode<synchronous>, transform_indices = @transform_9, window_bounds = array<i64: 1, 16>}]} {
    %get3A = arith.constant 0 : index
    %get3A_0 = arith.constant 0 : index
    %get3A_1 = arith.constant 0 : index
    %get3A_2 = vector.load %arg1[%get3A, %get3A_0, %get3A_1] : memref<2x512x128xf32, #tpu.memory_space<vmem>>, vector<1x512x128xf32>
    %get3A_3 = vector.shape_cast %get3A_2 : vector<1x512x128xf32> to vector<512x128xf32>
    %get3A_4 = arith.constant 1 : index
    %get3A_5 = arith.constant 0 : index
    %get3A_6 = arith.constant 0 : index
    %get3A_7 = vector.load %arg1[%get3A_4, %get3A_5, %get3A_6] : memref<2x512x128xf32, #tpu.memory_space<vmem>>, vector<1x512x128xf32>
    %get3A_8 = vector.shape_cast %get3A_7 : vector<1x512x128xf32> to vector<512x128xf32>
    %add3A = arith.addf %get3A_3, %get3A_8 : vector<512x128xf32>
    %get3A_9 = arith.constant 0 : index
    %get3A_10 = arith.constant 0 : index
    %get3A_11 = arith.constant 0 : index
    %get3A_12 = vector.load %arg2[%get3A_9, %get3A_10, %get3A_11] : memref<2x1x512xf32, #tpu.memory_space<vmem>>, vector<1x1x512xf32>
    %get3A_13 = vector.shape_cast %get3A_12 : vector<1x1x512xf32> to vector<512xf32>
    %get3A_14 = arith.constant 1 : index
    %get3A_15 = arith.constant 0 : index
    %get3A_16 = arith.constant 0 : index
    %get3A_17 = vector.load %arg2[%get3A_14, %get3A_15, %get3A_16] : memref<2x1x512xf32, #tpu.memory_space<vmem>>, vector<1x1x512xf32>
    %get3A_18 = vector.shape_cast %get3A_17 : vector<1x1x512xf32> to vector<512xf32>
    %add3A_19 = arith.addf %get3A_13, %get3A_18 : vector<512xf32>
    %max3A = arith.constant 1.000000e-30 : f32
    %max3A_20 = vector.broadcast %max3A : f32 to vector<512xf32>
    %max3A_21 = arith.maximumf %add3A_19, %max3A_20 : vector<512xf32>
    %broadcast_in_dim3A = vector.shape_cast %max3A_21 : vector<512xf32> to vector<512x1xf32>
    %div3A = vector.broadcast %broadcast_in_dim3A : vector<512x1xf32> to vector<512x128xf32>
    %div3A_22 = arith.divf %add3A, %div3A : vector<512x128xf32>
    %get3A_23 = arith.constant 0 : index
    %get3A_24 = arith.constant 0 : index
    %get3A_25 = vector.load %arg3[%get3A_23, %get3A_24] : memref<1x128xf32, #tpu.memory_space<vmem>>, vector<1x128xf32>
    %add3A_26 = vector.broadcast %get3A_25 : vector<1x128xf32> to vector<512x128xf32>
    %add3A_27 = arith.addf %div3A_22, %add3A_26 : vector<512x128xf32>
    %gt3A = arith.constant 0.000000e+00 : f32
    %gt3A_28 = vector.broadcast %gt3A : f32 to vector<512x128xf32>
    %gt3A_29 = arith.cmpf ogt, %add3A_27, %gt3A_28 : vector<512x128xf32>
    %min3A = arith.constant 0.000000e+00 : f32
    %min3A_30 = vector.broadcast %min3A : f32 to vector<512x128xf32>
    %min3A_31 = arith.minimumf %add3A_27, %min3A_30 : vector<512x128xf32>
    %exp3A = math.exp %min3A_31 : vector<512x128xf32>
    %sub3A = arith.constant 1.000000e+00 : f32
    %sub3A_32 = vector.broadcast %sub3A : f32 to vector<512x128xf32>
    %sub3A_33 = arith.subf %exp3A, %sub3A_32 : vector<512x128xf32>
    %select_n3A = arith.select %gt3A_29, %add3A_27, %sub3A_33 : vector<512x128xi1>, vector<512x128xf32>
    %get3A_34 = arith.constant 0 : index
    %get3A_35 = arith.constant 0 : index
    %get3A_36 = vector.load %arg4[%get3A_34, %get3A_35] : memref<128x128xf32, #tpu.memory_space<vmem>>, vector<128x128xf32>
    %dot_general3A = arith.constant dense<0.000000e+00> : vector<512x128xf32>
    %dot_general3A_37 = tpu.matmul %select_n3A, %get3A_36, %dot_general3A {dimension_numbers = #tpu.dot_dimension_numbers<[1], [0], [0], [1], [0, 0, 1, 1], [], []>, transpose_lhs_hint = false} : vector<512x128xf32>, vector<128x128xf32>, vector<512x128xf32> -> vector<512x128xf32>
    %get3A_38 = arith.constant 0 : index
    %get3A_39 = arith.constant 0 : index
    %get3A_40 = vector.load %arg5[%get3A_38, %get3A_39] : memref<1x128xf32, #tpu.memory_space<vmem>>, vector<1x128xf32>
    %mul3A = vector.broadcast %get3A_40 : vector<1x128xf32> to vector<512x128xf32>
    %mul3A_41 = arith.mulf %dot_general3A_37, %mul3A : vector<512x128xf32>
    %reduce_sum3A = arith.constant dense<0.000000e+00> : vector<512xf32>
    %reduce_sum3A_42 = vector.multi_reduction <add>, %mul3A_41, %reduce_sum3A [1] : vector<512x128xf32> to vector<512xf32>
    %get3A_43 = arith.constant 0 : index
    %get3A_44 = arith.constant 0 : index
    %get3A_45 = vector.load %arg6[%get3A_43, %get3A_44] : memref<1x128xf32, #tpu.memory_space<vmem>>, vector<1x128xf32>
    %mul3A_46 = vector.broadcast %get3A_45 : vector<1x128xf32> to vector<512x128xf32>
    %mul3A_47 = arith.mulf %dot_general3A_37, %mul3A_46 : vector<512x128xf32>
    %reduce_sum3A_48 = arith.constant dense<0.000000e+00> : vector<512xf32>
    %reduce_sum3A_49 = vector.multi_reduction <add>, %mul3A_47, %reduce_sum3A_48 [1] : vector<512x128xf32> to vector<512xf32>
    %mul3A_50 = arith.constant 512 : i32
    %mul3A_51 = arith.muli %arg0, %mul3A_50 : i32
    %iota3A = tpu.iota {dimensions = array<i32: 1>} : vector<1x512xi32>
    %iota3A_52 = vector.shape_cast %iota3A : vector<1x512xi32> to vector<512xi32>
    %add3A_53 = vector.broadcast %mul3A_51 : i32 to vector<512xi32>
    %add3A_54 = arith.addi %add3A_53, %iota3A_52 : vector<512xi32>
    %lt3A = arith.constant 10000 : i32
    %lt3A_55 = vector.broadcast %lt3A : i32 to vector<512xi32>
    %lt3A_56 = arith.cmpi slt, %add3A_54, %lt3A_55 : vector<512xi32>
    %jit3A = arith.constant -1.000000e+30 : f32
    %broadcast_in_dim3A_57 = vector.broadcast %jit3A : f32 to vector<512xf32>
    %select_n3A_58 = arith.select %lt3A_56, %reduce_sum3A_42, %broadcast_in_dim3A_57 : vector<512xi1>, vector<512xf32>
    %jit3A_59 = arith.constant -1.000000e+30 : f32
    %broadcast_in_dim3A_60 = vector.broadcast %jit3A_59 : f32 to vector<512xf32>
    %select_n3A_61 = arith.select %lt3A_56, %reduce_sum3A_49, %broadcast_in_dim3A_60 : vector<512xi1>, vector<512xf32>
    %swap3A = arith.constant 0 : index
    %swap3A_62 = arith.constant 0 : index
    %swap3A_63 = vector.load %arg7[%swap3A, %swap3A_62] : memref<512x128xf32, #tpu.memory_space<vmem>>, vector<512x128xf32>
    tpu.vector_store %arg7[%swap3A, %swap3A_62], %dot_general3A_37 {strides = array<i32>} : memref<512x128xf32, #tpu.memory_space<vmem>>, vector<512x128xf32>,
    %reshape3A = vector.shape_cast %select_n3A_58 : vector<512xf32> to vector<1x512xf32>
    %swap3A_64 = arith.constant 0 : index
    %swap3A_65 = arith.constant 0 : index
    %swap3A_66 = vector.load %arg8[%swap3A_64, %swap3A_65] : memref<1x512xf32, #tpu.memory_space<vmem>>, vector<1x512xf32>
    tpu.vector_store %arg8[%swap3A_64, %swap3A_65], %reshape3A {strides = array<i32>} : memref<1x512xf32, #tpu.memory_space<vmem>>, vector<1x512xf32>,
    %reshape3A_67 = vector.shape_cast %select_n3A_61 : vector<512xf32> to vector<1x512xf32>
    %swap3A_68 = arith.constant 0 : index
    %swap3A_69 = arith.constant 0 : index
    %swap3A_70 = vector.load %arg9[%swap3A_68, %swap3A_69] : memref<1x512xf32, #tpu.memory_space<vmem>>, vector<1x512xf32>
    tpu.vector_store %arg9[%swap3A_68, %swap3A_69], %reshape3A_67 {strides = array<i32>} : memref<1x512xf32, #tpu.memory_space<vmem>>, vector<1x512xf32>,
    %eq3A = arith.constant 0 : i32
    %eq3A_71 = arith.cmpi eq, %arg0, %eq3A : i32
    %convert_element_type3A = arith.extui %eq3A_71 : i1 to i32
    %cond3A = arith.constant 0 : i32
    %cond3A_72 = arith.cmpi ne, %convert_element_type3A, %cond3A : i32
    scf.if %cond3A_72 {
      %swap3A_97 = arith.constant -1.000000e+30 : f32
      %swap3A_98 = arith.constant 0 : index
      %swap3A_99 = memref.load %arg11[%swap3A_98] : memref<2xf32, #tpu.memory_space<smem>>
      memref.store %swap3A_97, %arg11[%swap3A_98] : memref<2xf32, #tpu.memory_space<smem>>
      %swap3A_100 = arith.constant -1.000000e+30 : f32
      %swap3A_101 = arith.constant 1 : index
      %swap3A_102 = memref.load %arg11[%swap3A_101] : memref<2xf32, #tpu.memory_space<smem>>
      memref.store %swap3A_100, %arg11[%swap3A_101] : memref<2xf32, #tpu.memory_space<smem>>
    } else {
    }
    %get3A_73 = arith.constant 0 : index
    %get3A_74 = memref.load %arg11[%get3A_73] : memref<2xf32, #tpu.memory_space<smem>>
    %reduce_max3A = vector.shape_cast %select_n3A_58 : vector<512xf32> to vector<1x512xf32>
    %reduce_max3A_75 = arith.constant dense<0xFF800000> : vector<1xf32>
    %reduce_max3A_76 = vector.multi_reduction <maximumf>, %reduce_max3A, %reduce_max3A_75 [1] : vector<1x512xf32> to vector<1xf32>
    %reduce_max3A_77 = vector.shape_cast %reduce_max3A_76 : vector<1xf32> to vector<1x1xf32>
    %reduce_max3A_78 = vector.extract %reduce_max3A_77[0, 0] : f32 from vector<1x1xf32>
    %max3A_79 = arith.maximumf %get3A_74, %reduce_max3A_78 : f32
    %swap3A_80 = arith.constant 0 : index
    %swap3A_81 = memref.load %arg11[%swap3A_80] : memref<2xf32, #tpu.memory_space<smem>>
    memref.store %max3A_79, %arg11[%swap3A_80] : memref<2xf32, #tpu.memory_space<smem>>
    %get3A_82 = arith.constant 1 : index
    %get3A_83 = memref.load %arg11[%get3A_82] : memref<2xf32, #tpu.memory_space<smem>>
    %reduce_max3A_84 = vector.shape_cast %select_n3A_61 : vector<512xf32> to vector<1x512xf32>
    %reduce_max3A_85 = arith.constant dense<0xFF800000> : vector<1xf32>
    %reduce_max3A_86 = vector.multi_reduction <maximumf>, %reduce_max3A_84, %reduce_max3A_85 [1] : vector<1x512xf32> to vector<1xf32>
    %reduce_max3A_87 = vector.shape_cast %reduce_max3A_86 : vector<1xf32> to vector<1x1xf32>
    %reduce_max3A_88 = vector.extract %reduce_max3A_87[0, 0] : f32 from vector<1x1xf32>
    %max3A_89 = arith.maximumf %get3A_83, %reduce_max3A_88 : f32
    %swap3A_90 = arith.constant 1 : index
    %swap3A_91 = memref.load %arg11[%swap3A_90] : memref<2xf32, #tpu.memory_space<smem>>
    memref.store %max3A_89, %arg11[%swap3A_90] : memref<2xf32, #tpu.memory_space<smem>>
    %eq3A_92 = arith.constant 19 : i32
    %eq3A_93 = arith.cmpi eq, %arg0, %eq3A_92 : i32
    %convert_element_type3A_94 = arith.extui %eq3A_93 : i1 to i32
    %cond3A_95 = arith.constant 0 : i32
    %cond3A_96 = arith.cmpi ne, %convert_element_type3A_94, %cond3A_95 : i32
    scf.if %cond3A_96 {
      %get3A_97 = arith.constant 0 : index
      %get3A_98 = memref.load %arg11[%get3A_97] : memref<2xf32, #tpu.memory_space<smem>>
      %get3A_99 = arith.constant 1 : index
      %get3A_100 = memref.load %arg11[%get3A_99] : memref<2xf32, #tpu.memory_space<smem>>
      %add3A_101 = arith.addf %get3A_98, %get3A_100 : f32
      %max3A_102 = arith.constant 0.000000e+00 : f32
      %max3A_103 = arith.maximumf %add3A_101, %max3A_102 : f32
      %broadcast_in_dim3A_104 = vector.broadcast %max3A_103 : f32 to vector<1x16xf32>
      %swap3A_105 = arith.constant 0 : index
      %swap3A_106 = arith.constant 0 : index
      %swap3A_107 = vector.load %arg10[%swap3A_105, %swap3A_106] : memref<1x16xf32, #tpu.memory_space<vmem>>, vector<1x16xf32>
      tpu.vector_store %arg10[%swap3A_105, %swap3A_106], %broadcast_in_dim3A_104 {strides = array<i32>} : memref<1x16xf32, #tpu.memory_space<vmem>>, vector<1x16xf32>,
    } else {
    }
    return
  }
  func.func @transform_0(%arg0: i32) -> (i32, i32, i32) {
    %c0_i32 = arith.constant 0 : i32
    %c0_i32_0 = arith.constant 0 : i32
    %c0_i32_1 = arith.constant 0 : i32
    return %c0_i32, %arg0, %c0_i32_0 : i32, i32, i32
  }
  func.func @transform_1(%arg0: i32) -> (i32, i32, i32) {
    %c0_i32 = arith.constant 0 : i32
    %c0_i32_0 = arith.constant 0 : i32
    %c0_i32_1 = arith.constant 0 : i32
    return %c0_i32, %c0_i32_0, %arg0 : i32, i32, i32
  }
  func.func @transform_2(%arg0: i32) -> (i32, i32) {
    %c0_i32 = arith.constant 0 : i32
    %c0_i32_0 = arith.constant 0 : i32
    %c0_i32_1 = arith.constant 0 : i32
    return %c0_i32, %c0_i32_0 : i32, i32
  }
  func.func @transform_3(%arg0: i32) -> (i32, i32) {
    %c0_i32 = arith.constant 0 : i32
    %c0_i32_0 = arith.constant 0 : i32
    %c0_i32_1 = arith.constant 0 : i32
    return %c0_i32, %c0_i32_0 : i32, i32
  }
  func.func @transform_4(%arg0: i32) -> (i32, i32) {
    %c0_i32 = arith.constant 0 : i32
    %c0_i32_0 = arith.constant 0 : i32
    %c0_i32_1 = arith.constant 0 : i32
    return %c0_i32, %c0_i32_0 : i32, i32
  }
  func.func @transform_5(%arg0: i32) -> (i32, i32) {
    %c0_i32 = arith.constant 0 : i32
    %c0_i32_0 = arith.constant 0 : i32
    %c0_i32_1 = arith.constant 0 : i32
    return %c0_i32, %c0_i32_0 : i32, i32
  }
  func.func @transform_6(%arg0: i32) -> (i32, i32) {
    %c0_i32 = arith.constant 0 : i32
    %c0_i32_0 = arith.constant 0 : i32
    return %arg0, %c0_i32 : i32, i32
  }
  func.func @transform_7(%arg0: i32) -> (i32, i32) {
    %c0_i32 = arith.constant 0 : i32
    %c0_i32_0 = arith.constant 0 : i32
    return %c0_i32, %arg0 : i32, i32
  }
  func.func @transform_8(%arg0: i32) -> (i32, i32) {
    %c0_i32 = arith.constant 0 : i32
    %c0_i32_0 = arith.constant 0 : i32
    return %c0_i32, %arg0 : i32, i32
  }
  func.func @transform_9(%arg0: i32) -> (i32, i32) {
    %c0_i32 = arith.constant 0 : i32
    %c0_i32_0 = arith.constant 0 : i32
    %c0_i32_1 = arith.constant 0 : i32
    return %c0_i32, %c0_i32_0 : i32, i32
  }
}

module attributes {stable_mosaic.version = 14 : i64} {
  func.func @_merge_out_body(%arg0: i32, %arg1: memref<2x512x128xf32, #tpu.memory_space<vmem>>, %arg2: memref<2x1x512xf32, #tpu.memory_space<vmem>>, %arg3: memref<1x128xf32, #tpu.memory_space<vmem>>, %arg4: memref<512x128xf32, #tpu.memory_space<vmem>>) attributes {dimension_semantics = [#tpu.dimension_semantics<arbitrary>], iteration_bounds = array<i64: 20>, scalar_prefetch = 0 : i64, scratch_operands = 0 : i64, tpu.core_type = #tpu.core_type<tc>, window_params = [{transform_indices = @transform_0, window_bounds = array<i64: 2, 512, 128>}, {transform_indices = @transform_1, window_bounds = array<i64: 2, 1, 512>}, {pipeline_mode = #tpu.pipeline_mode<synchronous>, transform_indices = @transform_2, window_bounds = array<i64: 1, 128>}, {transform_indices = @transform_3, window_bounds = array<i64: 512, 128>}]} {
    %get3A = arith.constant 0 : index
    %get3A_0 = arith.constant 0 : index
    %get3A_1 = arith.constant 0 : index
    %get3A_2 = vector.load %arg1[%get3A, %get3A_0, %get3A_1] : memref<2x512x128xf32, #tpu.memory_space<vmem>>, vector<1x512x128xf32>
    %get3A_3 = vector.shape_cast %get3A_2 : vector<1x512x128xf32> to vector<512x128xf32>
    %get3A_4 = arith.constant 1 : index
    %get3A_5 = arith.constant 0 : index
    %get3A_6 = arith.constant 0 : index
    %get3A_7 = vector.load %arg1[%get3A_4, %get3A_5, %get3A_6] : memref<2x512x128xf32, #tpu.memory_space<vmem>>, vector<1x512x128xf32>
    %get3A_8 = vector.shape_cast %get3A_7 : vector<1x512x128xf32> to vector<512x128xf32>
    %add3A = arith.addf %get3A_3, %get3A_8 : vector<512x128xf32>
    %get3A_9 = arith.constant 0 : index
    %get3A_10 = arith.constant 0 : index
    %get3A_11 = arith.constant 0 : index
    %get3A_12 = vector.load %arg2[%get3A_9, %get3A_10, %get3A_11] : memref<2x1x512xf32, #tpu.memory_space<vmem>>, vector<1x1x512xf32>
    %get3A_13 = vector.shape_cast %get3A_12 : vector<1x1x512xf32> to vector<512xf32>
    %get3A_14 = arith.constant 1 : index
    %get3A_15 = arith.constant 0 : index
    %get3A_16 = arith.constant 0 : index
    %get3A_17 = vector.load %arg2[%get3A_14, %get3A_15, %get3A_16] : memref<2x1x512xf32, #tpu.memory_space<vmem>>, vector<1x1x512xf32>
    %get3A_18 = vector.shape_cast %get3A_17 : vector<1x1x512xf32> to vector<512xf32>
    %add3A_19 = arith.addf %get3A_13, %get3A_18 : vector<512xf32>
    %max3A = arith.constant 1.000000e-30 : f32
    %max3A_20 = vector.broadcast %max3A : f32 to vector<512xf32>
    %max3A_21 = arith.maximumf %add3A_19, %max3A_20 : vector<512xf32>
    %broadcast_in_dim3A = vector.shape_cast %max3A_21 : vector<512xf32> to vector<512x1xf32>
    %div3A = vector.broadcast %broadcast_in_dim3A : vector<512x1xf32> to vector<512x128xf32>
    %div3A_22 = arith.divf %add3A, %div3A : vector<512x128xf32>
    %get3A_23 = arith.constant 0 : index
    %get3A_24 = arith.constant 0 : index
    %get3A_25 = vector.load %arg3[%get3A_23, %get3A_24] : memref<1x128xf32, #tpu.memory_space<vmem>>, vector<1x128xf32>
    %add3A_26 = vector.broadcast %get3A_25 : vector<1x128xf32> to vector<512x128xf32>
    %add3A_27 = arith.addf %div3A_22, %add3A_26 : vector<512x128xf32>
    %gt3A = arith.constant 0.000000e+00 : f32
    %gt3A_28 = vector.broadcast %gt3A : f32 to vector<512x128xf32>
    %gt3A_29 = arith.cmpf ogt, %add3A_27, %gt3A_28 : vector<512x128xf32>
    %min3A = arith.constant 0.000000e+00 : f32
    %min3A_30 = vector.broadcast %min3A : f32 to vector<512x128xf32>
    %min3A_31 = arith.minimumf %add3A_27, %min3A_30 : vector<512x128xf32>
    %exp3A = math.exp %min3A_31 : vector<512x128xf32>
    %sub3A = arith.constant 1.000000e+00 : f32
    %sub3A_32 = vector.broadcast %sub3A : f32 to vector<512x128xf32>
    %sub3A_33 = arith.subf %exp3A, %sub3A_32 : vector<512x128xf32>
    %select_n3A = arith.select %gt3A_29, %add3A_27, %sub3A_33 : vector<512x128xi1>, vector<512x128xf32>
    %swap3A = arith.constant 0 : index
    %swap3A_34 = arith.constant 0 : index
    %swap3A_35 = vector.load %arg4[%swap3A, %swap3A_34] : memref<512x128xf32, #tpu.memory_space<vmem>>, vector<512x128xf32>
    tpu.vector_store %arg4[%swap3A, %swap3A_34], %select_n3A {strides = array<i32>} : memref<512x128xf32, #tpu.memory_space<vmem>>, vector<512x128xf32>,
    return
  }
  func.func @transform_0(%arg0: i32) -> (i32, i32, i32) {
    %c0_i32 = arith.constant 0 : i32
    %c0_i32_0 = arith.constant 0 : i32
    %c0_i32_1 = arith.constant 0 : i32
    return %c0_i32, %arg0, %c0_i32_0 : i32, i32, i32
  }
  func.func @transform_1(%arg0: i32) -> (i32, i32, i32) {
    %c0_i32 = arith.constant 0 : i32
    %c0_i32_0 = arith.constant 0 : i32
    %c0_i32_1 = arith.constant 0 : i32
    return %c0_i32, %c0_i32_0, %arg0 : i32, i32, i32
  }
  func.func @transform_2(%arg0: i32) -> (i32, i32) {
    %c0_i32 = arith.constant 0 : i32
    %c0_i32_0 = arith.constant 0 : i32
    %c0_i32_1 = arith.constant 0 : i32
    return %c0_i32, %c0_i32_0 : i32, i32
  }
  func.func @transform_3(%arg0: i32) -> (i32, i32) {
    %c0_i32 = arith.constant 0 : i32
    %c0_i32_0 = arith.constant 0 : i32
    return %arg0, %c0_i32 : i32, i32
  }
}

</mosaic_0001>

<sc_bundles>
// kernel: kernel.10.cloned.1.call-start
scs
__scs_entry_jumppad:
0x0: {  	(pc) =	sbr.rel $0x88, $3  }
0x1: {  	(tag) =	ssettag $0x0;
	lr =	simm.s32 $0x1  }
0x2: {  	[smem:$0x3F97] =	sst lr;
	_ =	strace $0xD0000000  }
0x3: {  	_ = 	snop  }
0x4: {  	_ = 	snop  }
0x5: {  	_ = 	snop  }
0x6: {  	_ = 	snop  }
0x7: {  	_ = 	snop  }
__scs_overlays_trampoline_lowered:
0x8: {  	[smem:$0x3FA6] =	sst s0  }
0x9: {  	[smem:$0x3FA7] =	sst s1  }
0xa: {  	[smem:$0x3FA8] =	sst s2  }
0xb: {  	[smem:$0x3FA9] =	sst s3  }
0xc: {  	[smem:$0x3FAA] =	sst s4  }
0xd: {  	[smem:$0x3FAB] =	sst s5  }
0xe: {  	[smem:$0x3FAC] =	sst s6  }
0xf: {  	[smem:$0x3FAD] =	sst s7  }
0x10: {  	[smem:$0x3FAE] =	sst s8  }
0x11: {  	[smem:$0x3FAF] =	sst s9;
	s0 =	simm.s32 @!p0 $0x0  }
0x12: {  	s1 =	sld [smem:$0x3F95];
	s0 =	simm.s32 @p0 $0x1  }
0x13: {  	[smem:$0x3FB0] =	sst s0;
	s0 =	simm.s32 @!p1 $0x0  }
0x14: {  	s2 =	sld [smem:$0x3F94];
	s0 =	simm.s32 @p1 $0x1  }
0x15: {  	[smem:$0x3FB1] =	sst s0;
	s0 =	simm.s32 @!p2 $0x0  }
0x16: {  	s3 =	sld [smem:$0x3FDB];
	s0 =	simm.s32 @p2 $0x1  }
0x17: {  	s4 =	simm.s32 $0x1BF5;
	[smem:$0x3FB3] =	sst s0  }
0x18: {  	s0 =	sld [smem:$0x3F96];
	_ =	swait.ge [sflag:s4], $0x0  }
0x19: {  	s7 =	sld [smem:$0x3F97]  }
0x1a: {  	s8 =	sadd.s32 $0xFFFFE003, lr  }
0x1b: {  	s9 =	sadd.s32 $0xFFFFFEF7, lr;
	s5 =	simm.s32 $0xFFFFFFFF;
	p2 =	slt.u32 s8, $0xFFFFF086  }
0x1c: {  	p1 =	slt.u32 s9, $0xF7A;
	s5 =	simm.s32 @!p2 $0x0  }
0x1d: {  	s5 =	simm.s32 @p1 $0x1;
	p0 =	seq.s32 s7, s2  }
0x1e: {  	s7 =	smul.u32 @!p0 $0xF7A, s2;
	p2 =	seq.s32 @!p0 s5, $0x0  }
0x1f: {  	s9 =	smul.u32 $0xF7A, s1;
	s8 =	simm.s32 @!p0 $0x1BF5;
	p2 =	por !p2, p0  }
0x20: {  	[sflag:s8] =	ssyncset.s32 @!p0 $0xFFFFF086;
	s6 =	sadd.s32 @!p0 s3, s7;
	s7 =	simm.s32 @!p0 $0x108  }
0x21: {  	s3 =	sadd.s32 s3, s9;
	s6 =	sadd.s32 @!p0 $0x88, s6;
	s7 =	simm.s32 @p2 $0x1082  }
0x22: {  	[simem:s7], [sflag:s8] =	dma.local @!p0 [hbm:s6], $0xF7A  }
0x23: {  	s9 =	sor.u32 $0xD0000000, s2;
	s6 =	simm.s32 $0x108;
	_ =	swait.ge @!p0 [sflag:s8], $0x0  }
0x24: {  	s3 =	sadd.s32 $0x88, s3;
	s6 =	simm.s32 @!p1 $0x1082;
	[sflag:s4] =	ssyncset.s32 $0xFFFFF086  }
0x25: {  	[simem:s6], [sflag:s4] =	dma.local [hbm:s3], $0xF7A  }
0x26: {  	[smem:$0x3F97] =	sst s1;
	(tag) =	ssettag s2;
	_ =	strace s9  }
0x27: {  	s1 =	sld [smem:$0x3FA7]  }
0x28: {  	s2 =	sld [smem:$0x3FA8]  }
0x29: {  	s4 =	sld [smem:$0x3FAA]  }
0x2a: {  	p0 =	seq.s32 s5, $0x0;
	s5 =	sld [smem:$0x3FAB]  }
0x2b: {  	s6 =	sld [smem:$0x3FAC]  }
0x2c: {  	s7 =	sld [smem:$0x3FAD]  }
0x2d: {  	s3 =	simm.s32 $0x108;
	s8 =	sld [smem:$0x3FAE]  }
0x2e: {  	s3 =	simm.s32 @!p0 $0x1082;
	s9 =	sld [smem:$0x3FAF]  }
0x2f: {  	lr =	sadd.s32 s0, s3;
	s0 =	sld [smem:$0x3FA6]  }
0x30: {  	s3 =	sld [smem:$0x3FA9]  }
0x31: {  	[smem:$0x3FB2] =	sst s10  }
0x32: {  	s10 =	sld [smem:$0x3FB0];
	_ =	sdelay $0x3  }
0x33: {  	p0 =	seq.s32 s10, $0x1;
	s10 =	sld [smem:$0x3FB2];
	_ =	sdelay $0x3  }
0x34: {  	[smem:$0x3FB2] =	sst s10  }
0x35: {  	s10 =	sld [smem:$0x3FB1];
	_ =	sdelay $0x3  }
0x36: {  	p1 =	seq.s32 s10, $0x1;
	s10 =	sld [smem:$0x3FB2];
	_ =	sdelay $0x3  }
0x37: {  	[smem:$0x3FB2] =	sst s10  }
0x38: {  	s10 =	sld [smem:$0x3FB3]  }
0x39: {  	_ = 	snop;
	(pc) =	sbr.ind lr, $3  }
0x3a: {  	_ = 	snop  }
0x3b: {  	_ = 	snop  }
0x3c: {  	p2 =	seq.s32 s10, $0x1;
	s10 =	sld [smem:$0x3FB2]  }
0x3d: {  	_ =	shalt  }
0x3e: {  	_ =	shalt  }
0x3f: {  	_ =	shalt  }
0x40: {  	_ =	shalt  }
0x41: {  	_ =	shalt  }
0x42: {  	_ =	shalt  }
0x43: {  	_ =	shalt  }
0x44: {  	_ =	shalt  }
0x45: {  	_ =	shalt  }
0x46: {  	_ =	shalt  }
0x47: {  	_ =	shalt  }
0x48: {  	_ =	shalt  }
0x49: {  	_ =	shalt  }
0x4a: {  	_ =	shalt  }
0x4b: {  	_ =	shalt  }
0x4c: {  	_ =	shalt  }
0x4d: {  	_ =	shalt  }
0x4e: {  	_ =	shalt  }
0x4f: {  	_ =	shalt  }
0x50: {  	_ =	shalt  }
0x51: {  	_ =	shalt  }
0x52: {  	_ =	shalt  }
0x53: {  	_ =	shalt  }
0x54: {  	_ =	shalt  }
0x55: {  	_ =	shalt  }
0x56: {  	_ =	shalt  }
0x57: {  	_ =	shalt  }
0x58: {  	_ =	shalt  }
0x59: {  	_ =	shalt  }
0x5a: {  	_ =	shalt  }
0x5b: {  	_ =	shalt  }
0x5c: {  	_ =	shalt  }
0x5d: {  	_ =	shalt  }
0x5e: {  	_ =	shalt  }
0x5f: {  	_ =	shalt  }
0x60: {  	_ =	shalt  }
0x61: {  	_ =	shalt  }
0x62: {  	_ =	shalt  }
0x63: {  	_ =	shalt  }
0x64: {  	_ =	shalt  }
0x65: {  	_ =	shalt  }
0x66: {  	_ =	shalt  }
0x67: {  	_ =	shalt  }
0x68: {  	_ =	shalt  }
0x69: {  	_ =	shalt  }
0x6a: {  	_ =	shalt  }
0x6b: {  	_ =	shalt  }
0x6c: {  	_ =	shalt  }
0x6d: {  	_ =	shalt  }
0x6e: {  	_ =	shalt  }
0x6f: {  	_ =	shalt  }
0x70: {  	_ =	shalt  }
0x71: {  	_ =	shalt  }
0x72: {  	_ =	shalt  }
0x73: {  	_ =	shalt  }
0x74: {  	_ =	shalt  }
0x75: {  	_ =	shalt  }
0x76: {  	_ =	shalt  }
0x77: {  	_ =	shalt  }
0x78: {  	_ =	shalt  }
0x79: {  	_ =	shalt  }
0x7a: {  	_ =	shalt  }
0x7b: {  	_ =	shalt  }
0x7c: {  	_ =	shalt  }
0x7d: {  	_ =	shalt  }
0x7e: {  	_ =	shalt  }
0x7f: {  	_ =	shalt  }
0x80: {  	_ =	shalt  }
0x81: {  	_ =	shalt  }
0x82: {  	_ =	shalt  }
0x83: {  	_ =	shalt  }
0x84: {  	_ =	shalt  }
0x85: {  	_ =	shalt  }
0x86: {  	_ =	shalt  }
0x87: {  	_ =	shalt  }
.Lfunc_end0:
.L_simem_size_0:
called_computation.1_lowered:
.L_overlay_start_0:
0x88: {  	s2 =	sld [smem:$0x3FD9]  }
0x89: {  	s3 =	sld [smem:$0x3FFE];
	_ =	sdelay $0x1  }
0x8a: {  	s1 =	srdreg.scid  }
0x8b: {  	s0 =	sand.u32 $0x1, s1  }
0x8c: {  	s17 =	sshll.u32 s0, $0xA;
	s2 =	sadd.s32 s3, s2  }
0x8d: {  	s2 =	sadd.s32 s2, s17  }
0x8e: {  	[smem:$0x3FBE] =	sst s2  }
0x8f: {  	_ = 	snop  }
0x90: {  	s2 =	sld [smem:$0x3FD0];
	(tm) =	ssettm $0x1  }
0x91: {  	s18 =	sld [smem:$0x3FFB];
	_ =	sdelay $0x3  }
0x92: {  	_ =	strace s18  }
0x93: {  	s3 =	sld [smem:$0x3FFC];
	_ =	sdelay $0x3  }
0x94: {  	_ =	strace s3  }
0x95: {  	s3 =	sld [smem:$0x3FFD];
	_ =	sdelay $0x3  }
0x96: {  	_ =	strace s3  }
0x97: {  	_ =	strace $0x8FFFFFFF  }
0x98: {  	s19 =	sld [smem:$0x3FDB];
	_ =	sdelay $0x1  }
0x99: {  	s4 =	simm.s32 $_scs_section_size  }
0x9a: {  	s5 =	simm.s32 $_size__tile_overlayer_lowered;
	s6 =	simm.s32 $_tile_overlayer_lowered  }
0x9b: {  	s22 =	simm.s32 $0x1BFF;
	s21 =	sshll.u32 s6, $0x1;
	s3 =	sadd.s32 s4, s19  }
0x9c: {  	s7 =	simm.s32 $0x0;
	s20 =	sshll.u32 s5, $0x1;
	s5 =	sadd.s32 s21, s3  }
0x9d: {  	[timem:s7], [sflag:s22] =	dma.local [hbm:s5], s20  }
0x9e: {  	_ =	swait.ge [sflag:s22], s20  }
0x9f: {  	s4 =	ssub.s32 $0x0, s20;
	[sflag:s22] =	ssyncset.done $0x0  }
0xa0: {  	[sflag:s22] =	ssyncadd.s32 s4;
	_ =	sdelay $0x1  }
0xa1: {  	s23 =	simm.s32 $0x1B8B  }
0xa2: {  	_ =	swait.ge [sflag:s23], $0x1  }
0xa3: {  	[sflag:s23] =	ssyncset.done $0x0  }
0xa4: {  	s25 =	simm.s32 $0x1B8E;
	s24 =	sld [smem:$0x3FFE];
	[sflag:s23] =	ssyncadd.s32 $0xFFFFFFFF  }
0xa5: {  	s26 =	simm.s32 $execute0_lowered;
	[smem:$0x3FD2] =	sst s25  }
0xa6: {  	s5 =	sshll.u32 s26, $0x1;
	_ =	strace $0x80000049;
	[dreg:$0x1] =	wrdreg $0xFFFFFFFF  }
0xa7: {  	s28 =	simm.s32 $_size_execute0_lowered;
	s3 =	sadd.s32 s3, s5;
	[dreg:$0x0] =	wrdreg $0x0  }
0xa8: {  	s5 =	sshll.u32 s28, $0x1;
	[dreg:$0x2] =	wrdreg s3  }
0xa9: {  	[dreg:$0x3] =	wrdreg s5  }
0xaa: {  	[dreg:$0x4] =	wrdreg $0xC0  }
0xab: {  	_ =	task [dreg:s7], $0x5FFFF  }
0xac: {  	[dreg:$0x1] =	wrdreg $0xFFFFFFFF  }
0xad: {  	[dreg:$0x0] =	wrdreg $0x60  }
0xae: {  	[dreg:$0x2] =	wrdreg s24  }
0xaf: {  	[dreg:$0x3] =	wrdreg s2  }
0xb0: {  	[dreg:$0x4] =	wrdreg $0x43000  }
0xb1: {  	[dreg:$0x5] =	wrdreg $0x183000  }
0xb2: {  	[dreg:$0x6] =	wrdreg $0x9  }
0xb3: {  	_ =	task.clear_ibuf [dreg:s7], $0x7FFFF;
	_ =	strace $0x90000049  }
0xb4: {  	s29 =	simm.s32 $0x9;
	_ =	strace $0x8000004B  }
0xb5: {  	_ =	swait.ge [sflag:s29], $0x1  }
0xb6: {  	[sflag:s29] =	ssyncadd.s32 $0xFFFFFFFF  }
0xb7: {  	_ =	strace $0x9000004B  }
0xb8: {  	_ =	sfence  }
0xb9: {  	s30 =	sld [smem:$0x0];
	_ =	sdelay $0x2  }
0xba: {  	s31 =	sshll.u32 s1, $0xD;
	s1 =	sshrl.u32 s1, $0x2  }
0xbb: {  	s3 =	sand.u32 $0x4000, s31;
	s1 =	sadd.s32 s1, s30  }
0xbc: {  	s0 =	sor.u32 s3, s0;
	s1 =	sshll.u32 s1, $0x11  }
0xbd: {  	s0 =	sor.u32 s1, s0  }
0xbe: {  	s0 =	sadd.s32 $0x8F2B, s0  }
0xbf: {  	[sflag:s0] =	ssyncadd.remote.s32 $0x1  }
0xc0: {  	_ =	sfence.sel $0xFFFF  }
0xc1: {  	[dreg:$0x0] =	wrdreg $0xFFFFFFFF;
	(pc) =	sbr.abs _section_cstart, $3  }
0xc2: {  	[dreg:$0x1] =	wrdreg $0xFFFFFFFF  }
0xc3: {  	_ =	task.clear_ibuf [dreg:s7], $0x2FFFF;
	_ =	strace $0x9FFFFFFF  }
0xc4: {  	(tm) =	ssettm $0x7FFFFFFF  }
0xc5: {  	_ =	shalt  }
tec
execute0_lowered:
.L_overlay_start_1:
0x0: {  	(tag) =	ssettag $0x1  }
0x1: {  	s0 =	rddreg [dreg:$0x0]  }
0x2: {  	s1 =	rddreg [dreg:$0x1]  }
0x3: {  	s2 =	rddreg [dreg:$0x2]  }
0x4: {  	s3 =	rddreg [dreg:$0x3]  }
0x5: {  	s4 =	srdreg.scid;
	s5 =	simm.s32 $0x0;
	s16 =	stileid.u32  }
0x6: {  	s28 =	simm.s32 $0x280;
	s29 =	simm.s32 $0x80;
	s10 =	smul.u32 $0x14000, s16  }
0x7: {  	s30 =	simm.s32 $0x100;
	s31 =	simm.s32 $0x180;
	s11 =	smul.u32 $0x500, s16  }
0x8: {  	s4 =	sand.u32 $0x1, s4;
	[smem:$0x7FF] =	sst s5;
	s13 =	smul.u32 $0x50000, s16  }
0x9: {  	s6 =	sadd.s32 $0xD800, s0;
	s7 =	sadd.s32 $0x35800, s0;
	s14 =	smul.u32 $0x280, s16  }
0xa: {  	s8 =	sadd.s32 $0x35E00, s0;
	s17 =	sadd.s32 $0x36400, s0;
	s9 =	smul.u32 $0x140000, s4  }
0xb: {  	_ =	strace $0x8000004A;
	[dreg:$0x5] =	wrdreg s17;
	s12 =	sshll.u32 s4, $0x7  }
0xc: {  	s18 =	ssub.s32 $0x2, s4;
	s4 =	sshll.u32 s4, $0x4;
	s11 =	sor.u32 s12, s11  }
0xd: {  	s19 =	sshrl.u32 s18, $0x1;
	s20 =	sshrl.u32 s13, $0x2;
	s4 =	sor.u32 s16, s4  }
0xe: {  	s21 =	sadd.s32 $0x80, s14;
	s12 =	sadd.s32 s14, s3;
	s17 =	sadd.s32 $0x100, s14  }
0xf: {  	s24 =	sadd.s32 $0x180, s14;
	s14 =	sadd.s32 $0x200, s14;
	s9 =	sadd.s32 s10, s9  }
0x10: {  	s10 =	sadd.s32 $0x3800, s0;
	s11 =	sshrl.u32 s11, $0x3;
	s15 =	ssub.s32 s18, s19  }
0x11: {  	s22 =	sshll.u32 s21, $0x7;
	s13 =	sadd.s32 s21, s3;
	s23 =	sshll.u32 s17, $0x7  }
0x12: {  	s25 =	sadd.s32 s17, s3;
	s26 =	sshll.u32 s24, $0x7;
	s19 =	sshll.u32 s14, $0x7  }
0x13: {  	s18 =	sadd.s32 s24, s3;
	s21 =	smul.u32 $0x2800, s4;
	s9 =	sshrl.u32 s9, $0x3  }
0x14: {  	s16 =	sadd.s32 s22, s2;
	[dreg:$0x7] =	wrdreg s13;
	s13 =	sadd.s32 s23, s2  }
0x15: {  	[dreg:$0x9] =	wrdreg s25;
	s17 =	sadd.s32 s26, s2;
	s19 =	sadd.s32 s19, s2  }
0x16: {  	s24 =	smax.u32 s15, $0x1;
	s26 =	simm.s32 $0x1;
	s25 =	simm.s32 $0x0  }
0x17: {  	s9 =	sadd.s32 s9, s0;
	s0 =	sadd.s32 s11, s0;
	[dreg:$0x6] =	wrdreg s16  }
0x18: {  	s11 =	sadd.s32 s20, s2;
	[dreg:$0x8] =	wrdreg s13;
	s20 =	sadd.s32 s14, s3  }
0x19: {  	v0 =	vimm.f32 $0.0e+00;
	s22 =	sadd.s32 $0x37000, s9;
	s23 =	sadd.s32 $0x36600, s0;
	s0 =	simm.s32 $0x4280  }
.LBB2_1:
0x1a: {  	s4 =	rddreg [dreg:$0x5];
	s9 =	simm.s32 $0x200  }
0x1b: {  	[tilespmem:s9], [sflag:$0x1] =	stream.linear.gather [hbm4b:s4+s5], $0x80, $0x38;
	[tilespmem:$0x18580] =	vst v63  }
0x1c: {  	s15 =	sand.u32 $0xFE00, s5;
	s16 =	sand.u32 $0x70, s5;
	_ =	swait.ge [sflag:s26], $0x80  }
0x1d: {  	s13 =	sshrl.u32 s15, $0x2;
	s4 =	simm.s32 $0x40;
	[sflag:s26] =	ssyncset.done $0x0  }
0x1e: {  	s9 =	simm.s32 $0x0;
	s13 =	sor.u32 s16, s13;
	[sflag:s26] =	ssyncadd.s32 $0xFFFFFF80  }
.LBB2_2:
0x1f: {  	p0 =	sne.s32 s4, $0xFFC0  }
0x20: {  	[tilespmem:s13+$0x280] =	vst v0;
	s9 =	sadd.s32 $0x10, s9;
	s13 =	smov.u32 s4;
	s4 =	sadd.s32 $0x40, s4  }
.Ltmp0:
0x21: {  	(pc) =	sbr.rel @p0 .LBB2_2-.Ltmp0, $4  }
0x22: {  	_ = 	snop  }
0x23: {  	s13 =	sand.u32 $0xFE00, s13  }
0x24: {  	s14 =	sand.u32 $0x70, s9;
	s13 =	sshrl.u32 s13, $0x2  }
0x25: {  	s13 =	sor.u32 s14, s13  }
0x26: {  	[tilespmem:s13+$0x280] =	vst v0  }
0x27: {  	[spmem:s11] =	stream.linear.scatter [tilespmem:s28], [sflag:$0x1], $0x4000, $0x38;
	[tilespmem:$0x18580] =	vst v63  }
0x28: {  	_ =	swait.ge [sflag:s26], $0x4000  }
0x29: {  	[sflag:s26] =	ssyncset.done $0x0  }
0x2a: {  	[sflag:s26] =	ssyncadd.s32 $0xFFFFC000  }
0x2b: {  	[spmem:s12] =	stream.linear.scatter [tilespmem:s28], [sflag:$0x1], $0x80, $0x38;
	[tilespmem:$0x18580] =	vst v63  }
0x2c: {  	_ =	swait.ge [sflag:s26], $0x80  }
0x2d: {  	[sflag:s26] =	ssyncset.done $0x0  }
0x2e: {  	s4 =	rddreg [dreg:$0x6];
	[sflag:s26] =	ssyncadd.s32 $0xFFFFFF80  }
0x2f: {  	[spmem:s4] =	stream.linear.scatter [tilespmem:s28], [sflag:$0x1], $0x4000, $0x38;
	[tilespmem:$0x18580] =	vst v63  }
0x30: {  	_ =	swait.ge [sflag:s26], $0x4000  }
0x31: {  	[sflag:s26] =	ssyncset.done $0x0  }
0x32: {  	s14 =	rddreg [dreg:$0x7];
	[sflag:s26] =	ssyncadd.s32 $0xFFFFC000  }
0x33: {  	[spmem:s14] =	stream.linear.scatter [tilespmem:s28], [sflag:$0x1], $0x80, $0x38;
	[tilespmem:$0x18580] =	vst v63  }
0x34: {  	_ =	swait.ge [sflag:s26], $0x80  }
0x35: {  	[sflag:s26] =	ssyncset.done $0x0  }
0x36: {  	s15 =	rddreg [dreg:$0x8];
	[sflag:s26] =	ssyncadd.s32 $0xFFFFFF80  }
0x37: {  	[spmem:s15] =	stream.linear.scatter [tilespmem:s28], [sflag:$0x1], $0x4000, $0x38;
	[tilespmem:$0x18580] =	vst v63  }
0x38: {  	_ =	swait.ge [sflag:s26], $0x4000  }
0x39: {  	[sflag:s26] =	ssyncset.done $0x0  }
0x3a: {  	s16 =	rddreg [dreg:$0x9];
	[sflag:s26] =	ssyncadd.s32 $0xFFFFC000  }
0x3b: {  	[spmem:s16] =	stream.linear.scatter [tilespmem:s28], [sflag:$0x1], $0x80, $0x38;
	[tilespmem:$0x18580] =	vst v63  }
0x3c: {  	_ =	swait.ge [sflag:s26], $0x80  }
0x3d: {  	[sflag:s26] =	ssyncset.done $0x0  }
0x3e: {  	[sflag:s26] =	ssyncadd.s32 $0xFFFFFF80  }
0x3f: {  	[spmem:s17] =	stream.linear.scatter [tilespmem:s28], [sflag:$0x1], $0x4000, $0x38;
	[tilespmem:$0x18580] =	vst v63  }
0x40: {  	_ =	swait.ge [sflag:s26], $0x4000  }
0x41: {  	[sflag:s26] =	ssyncset.done $0x0  }
0x42: {  	[sflag:s26] =	ssyncadd.s32 $0xFFFFC000  }
0x43: {  	[spmem:s18] =	stream.linear.scatter [tilespmem:s28], [sflag:$0x1], $0x80, $0x38;
	[tilespmem:$0x18580] =	vst v63  }
0x44: {  	_ =	swait.ge [sflag:s26], $0x80  }
0x45: {  	[sflag:s26] =	ssyncset.done $0x0  }
0x46: {  	[sflag:s26] =	ssyncadd.s32 $0xFFFFFF80  }
0x47: {  	[spmem:s19] =	stream.linear.scatter [tilespmem:s28], [sflag:$0x1], $0x4000, $0x38;
	[tilespmem:$0x18580] =	vst v63  }
0x48: {  	_ =	swait.ge [sflag:s26], $0x4000  }
0x49: {  	[sflag:s26] =	ssyncset.done $0x0  }
0x4a: {  	[sflag:s26] =	ssyncadd.s32 $0xFFFFC000  }
0x4b: {  	[spmem:s20] =	stream.linear.scatter [tilespmem:s28], [sflag:$0x1], $0x80, $0x38;
	[tilespmem:$0x18580] =	vst v63  }
0x4c: {  	_ =	swait.ge [sflag:s26], $0x80  }
0x4d: {  	[sflag:s26] =	ssyncset.done $0x0  }
0x4e: {  	[sflag:s26] =	ssyncadd.s32 $0xFFFFFF80  }
0x4f: {  	[bflag:$0x0] =	sbarrier.arrive $0xFFFF  }
0x50: {  	s9 =	simm.s32 $0x0;
	s4 =	simm.s32 $0x0;
	v1 =	vld [tilespmem:$0x200]  }
.LBB2_4:
0x51: {  	s13 =	sshll.u32 s9, $0x7  }
0x52: {  	s14 =	sand.u32 $0x3C00, s13  }
0x53: {  	s13 =	sand.u32 $0x380, s13;
	s14 =	sadd.s32 s21, s14  }
0x54: {  	s13 =	sor.u32 s13, s14  }
0x55: {  	s13 =	sshrl.u32 s13, $0x3  }
0x56: {  	s16 =	sadd.s32 s1, s13  }
0x57: {  	[tilespmem:s4], [sflag:$0x1] =	stream.linear.gather [hbm4b:s16+s4], $0x80, $0x38;
	[tilespmem:$0x18580] =	vst v63  }
0x58: {  	_ =	swait.ge [sflag:s26], $0x80  }
0x59: {  	[sflag:s26] =	ssyncset.done $0x0  }
0x5a: {  	s13 =	sadd.s32 s10, s13;
	[sflag:s26] =	ssyncadd.s32 $0xFFFFFF80  }
0x5b: {  	[tilespmem:s29], [sflag:$0x1] =	stream.linear.gather [hbm4b:s13+s4], $0x80, $0x38;
	[tilespmem:$0x18580] =	vst v63  }
0x5c: {  	_ =	swait.ge [sflag:s26], $0x80  }
0x5d: {  	[sflag:s26] =	ssyncset.done $0x0  }
0x5e: {  	[sflag:s26] =	ssyncadd.s32 $0xFFFFFF80  }
0x5f: {  	[tilespmem:s30], [sflag:$0x1] =	stream.indirect.gather [hbm4b:s7+s29], $0x1, s4, s29, $0xb8;
	[tilespmem:$0x18580] =	vst v63  }
0x60: {  	_ =	swait.ge [sflag:s26], $0x80  }
0x61: {  	[sflag:s26] =	ssyncset.done $0x0  }
0x62: {  	[sflag:s26] =	ssyncadd.s32 $0xFFFFFF80  }
0x63: {  	[tilespmem:s31], [sflag:$0x1] =	stream.indirect.gather [hbm4b:s8+s29], $0x1, s29, s29, $0xb8;
	[tilespmem:$0x18580] =	vst v63  }
0x64: {  	_ =	swait.ge [sflag:s26], $0x80  }
0x65: {  	[sflag:s26] =	ssyncset.done $0x0  }
0x66: {  	[sflag:s26] =	ssyncadd.s32 $0xFFFFFF80  }
0x67: {  	[tilespmem:s28], [sflag:$0x1] =	stream.indirect.gather [hbm4b:s6+s29], $0x80, s4, s29, $0xb8;
	[tilespmem:$0x18580] =	vst v63  }
0x68: {  	_ =	swait.ge [sflag:s26], $0x4000  }
0x69: {  	[sflag:s26] =	ssyncset.done $0x0  }
0x6a: {  	[sflag:s26] =	ssyncadd.s32 $0xFFFFC000  }
0x6b: {  	v2 =	vld [tilespmem:$0x100]  }
0x6c: {  	v3 =	vld [tilespmem:$0x180]  }
0x6d: {  	v4 =	vld [tilespmem:$0x110]  }
0x6e: {  	v5 =	vld [tilespmem:$0x190]  }
0x6f: {  	v6 =	vld [tilespmem:$0x120]  }
0x70: {  	v7 =	vld [tilespmem:$0x1A0];
	_ =	sdelay $0x1  }
0x71: {  	v8 =	vld [tilespmem:$0x1B0];
	v2 =	vadd.f32 v3, v2  }
0x72: {  	v3 =	vld [tilespmem:$0x130]  }
0x73: {  	v10 =	vld [tilespmem:$0x150];
	v4 =	vadd.f32 v5, v4;
	v9 =	vmul.f32 $2.000000030e-01, v2  }
0x74: {  	v12 =	vld [tilespmem:$0x1D0];
	v6 =	vadd.f32 v7, v6;
	vm0 =	vge.f32 v2, $0.0e+00  }
0x75: {  	v5 =	vld [tilespmem:$0x140];
	v2 =	vsel vm0, v2, v9;
	v9 =	vmul.f32 $2.000000030e-01, v4  }
0x76: {  	v7 =	vld [tilespmem:$0x1C0];
	vm9 =	vge.f32 v4, $0.0e+00;
	v11 =	vmul.f32 $2.000000030e-01, v6;
	v2 =	vsub.f32 v2, v1  }
0x77: {  	v13 =	vld [tilespmem:$0x170];
	vm10 =	vge.f32 v6, $0.0e+00;
	v3 =	vadd.f32 v8, v3;
	v4 =	vsel vm9, v4, v9  }
0x78: {  	v6 =	vsel vm10, v6, v11;
	v8 =	vld [tilespmem:$0x160];
	v2 =	vmul.f32 $1.442695020e+00, v2;
	v4 =	vsub.f32 v4, v1  }
0x79: {  	v6 =	vsub.f32 v6, v1;
	v9 =	vld [tilespmem:$0x1E0];
	v11 =	vmul.f32 $2.000000030e-01, v3  }
0x7a: {  	vm11 =	vge.f32 v3, $0.0e+00;
	(erf) = vpow2.f32 v2;
	v2 =	vmul.f32 $1.442695020e+00, v4;
	v4 =	vld [tilespmem:$0x1F0]  }
0x7b: {  	v5 =	vadd.f32 v7, v5;
	v6 =	vmul.f32 $1.442695020e+00, v6;
	v3 =	vsel vm11, v3, v11  }
0x7c: {  	(erf) = vpow2.f32 v2;
	v2 =	vsub.f32 v3, v1  }
0x7d: {  	v3 =	vmul.f32 $2.000000030e-01, v5;
	(erf) = vpow2.f32 v6;
	v6 =	vadd.f32 v12, v10  }
0x7e: {  	vm12 =	vge.f32 v5, $0.0e+00;
	v7 =	vadd.f32 v9, v8;
	v2 =	vmul.f32 $1.442695020e+00, v2  }
0x7f: {  	v3 =	vsel vm12, v5, v3;
	v5 =	vmul.f32 $2.000000030e-01, v6;
	v4 =	vadd.f32 v4, v13  }
0x80: {  	v8 =	vmul.f32 $2.000000030e-01, v7;
	vm14 =	vge.f32 v7, $0.0e+00;
	vm13 =	vge.f32 v6, $0.0e+00  }
0x81: {  	v3 =	vsub.f32 v3, v1;
	v5 =	vsel vm13, v6, v5;
	v6 =	vmul.f32 $2.000000030e-01, v4  }
0x82: {  	v7 =	vsel vm14, v7, v8;
	vm15 =	vge.f32 v4, $0.0e+00;
	v5 =	vsub.f32 v5, v1  }
0x83: {  	v3 =	vmul.f32 $1.442695020e+00, v3;
	v7 =	vsub.f32 v7, v1;
	v4 =	vsel vm15, v4, v6  }
0x84: {  	(erf) = vpow2.f32 v2;
	v2 =	vmul.f32 $1.442695020e+00, v5;
	v4 =	vsub.f32 v4, v1  }
0x85: {  	(erf) = vpow2.f32 v3;
	v3 =	vmul.f32 $1.442695020e+00, v7  }
0x86: {  	(erf) = vpow2.f32 v2;
	v2 =	vmul.f32 $1.442695020e+00, v4  }
0x87: {  	(erf) = vpow2.f32 v3  }
0x88: {  	(erf) = vpow2.f32 v2;
	_ =	sdelay $0x1  }
0x89: {  	v2 =	vpop (erf)  }
0x8a: {  	v3 =	vpop (erf);
	[tilespmem:$0x4280] =	vst v2  }
0x8b: {  	v2 =	vpop (erf);
	[tilespmem:$0x4290] =	vst v3  }
0x8c: {  	v3 =	vpop (erf);
	[tilespmem:$0x42A0] =	vst v2  }
0x8d: {  	v2 =	vpop (erf);
	[tilespmem:$0x42B0] =	vst v3  }
0x8e: {  	v3 =	vpop (erf);
	[tilespmem:$0x42C0] =	vst v2  }
0x8f: {  	v2 =	vpop (erf);
	[tilespmem:$0x42D0] =	vst v3  }
0x90: {  	v3 =	vmov s4;
	[tilespmem:$0x42E0] =	vst v2;
	v2 =	vpop (erf)  }
0x91: {  	s13 =	simm.s32 $0x2C0;
	[tilespmem:$0x42F0] =	vst v2  }
0x92: {  	v6 =	vld [tilespmem:s13+$0x30]  }
0x93: {  	v9 =	vld [tilespmem:s13+$0x10]  }
0x94: {  	v7 =	vld [tilespmem:s13+$0xFFFFFFC0]  }
0x95: {  	v3 =	vld.idx.msk [tilespmem:v3+s0+$0x0], $0xffff  }
0x96: {  	v11 =	vld [tilespmem:s13+$0xFFFFFFE0]  }
0x97: {  	v2 =	vld [tilespmem:s13+$0xFFFFFFF0]  }
0x98: {  	v4 =	vld [tilespmem:s13+$0x20]  }
0x99: {  	v5 =	vld [tilespmem:s13+$0xFFFFFFD0]  }
0x9a: {  	v10 =	vmul.f32 v6, v3;
	v6 =	vld [tilespmem:s13+$0x0]  }
0x9b: {  	v8 =	vmul.f32 v7, v3  }
0x9c: {  	s15 =	simm.s32 $0x2C0;
	s14 =	simm.s32 $0x1;
	v7 =	vmul.f32 v11, v3;
	v9 =	vmul.f32 v9, v3  }
.LBB2_5:
0x9d: {  	p0 =	sne.s32 s14, $0x7F  }
0x9e: {  	v5 =	vmul.f32 v5, v3;
	v4 =	vmul.f32 v4, v3;
	[tilespmem:s13+$0x30] =	vst v10;
	s15 =	sadd.s32 $0x80, s15;
	s16 =	smov.u32 s14;
	s14 =	sadd.s32 $0x1, s14  }
0x9f: {  	[tilespmem:s13+$0xFFFFFFC0] =	vst v8;
	v8 =	vmul.f32 v2, v3;
	v3 =	vmul.f32 v6, v3  }
0xa0: {  	[tilespmem:s13+$0x10] =	vst v9  }
0xa1: {  	v6 =	vmov s16;
	[tilespmem:s13+$0xFFFFFFE0] =	vst v7  }
0xa2: {  	v2 =	vld [tilespmem:s15+$0xFFFFFFF0];
	[tilespmem:s13+$0xFFFFFFF0] =	vst v8  }
0xa3: {  	v7 =	vld [tilespmem:s15+$0x30];
	[tilespmem:s13+$0x0] =	vst v3  }
0xa4: {  	v9 =	vld [tilespmem:s15+$0x10];
	[tilespmem:s13+$0x20] =	vst v4  }
0xa5: {  	v8 =	vld [tilespmem:s15+$0xFFFFFFC0];
	[tilespmem:s13+$0xFFFFFFD0] =	vst v5;
	s13 =	smov.u32 s15  }
0xa6: {  	v3 =	vld.idx.msk [tilespmem:v6+s0+$0x0], $0xffff  }
0xa7: {  	v11 =	vld [tilespmem:s15+$0xFFFFFFE0]  }
0xa8: {  	v4 =	vld [tilespmem:s15+$0x20]  }
.Ltmp1:
0xa9: {  	v5 =	vld [tilespmem:s15+$0xFFFFFFD0];
	(pc) =	sbr.rel @p0 .LBB2_5-.Ltmp1, $3  }
0xaa: {  	v6 =	vld [tilespmem:s15+$0x0];
	_ =	sdelay $0x1  }
0xab: {  	v8 =	vmul.f32 v8, v3;
	v10 =	vmul.f32 v7, v3  }
0xac: {  	v9 =	vmul.f32 v9, v3;
	v7 =	vmul.f32 v11, v3  }
0xad: {  	[tilespmem:s13+$0x30] =	vst v10  }
0xae: {  	[tilespmem:s13+$0xFFFFFFC0] =	vst v8  }
0xaf: {  	v2 =	vmul.f32 v2, v3;
	[tilespmem:s13+$0x10] =	vst v9  }
0xb0: {  	v4 =	vmul.f32 v4, v3;
	[tilespmem:s13+$0xFFFFFFE0] =	vst v7  }
0xb1: {  	v6 =	vmul.f32 v6, v3;
	[tilespmem:s13+$0xFFFFFFF0] =	vst v2  }
0xb2: {  	v2 =	vmul.f32 v5, v3;
	[tilespmem:s13+$0x20] =	vst v4  }
0xb3: {  	[tilespmem:s13+$0x0] =	vst v6  }
0xb4: {  	[tilespmem:s13+$0xFFFFFFD0] =	vst v2  }
0xb5: {  	[spmem:s2] =	stream.indirect.scatter.add.f32 [tilespmem:s28], [sflag:$0x1], $0x80, s29, s29, $0xb8;
	[tilespmem:$0x18580] =	vst v63  }
0xb6: {  	s9 =	sadd.s32 $0x1, s9;
	_ =	swait.ge [sflag:s26], $0x4000  }
0xb7: {  	p0 =	sne.s32 s9, $0x4F;
	[sflag:s26] =	ssyncset.done $0x0  }
.Ltmp2:
0xb8: {  	[sflag:s26] =	ssyncadd.s32 $0xFFFFC000;
	(pc) =	sbr.rel @p0 .LBB2_4-.Ltmp2, $4  }
0xb9: {  	[spmem:s3] =	stream.indirect.scatter.add.f32 [tilespmem:s0], [sflag:$0x1], $0x1, s29, s29, $0xb8;
	[tilespmem:$0x18580] =	vst v63  }
0xba: {  	_ =	swait.ge [sflag:s26], $0x80  }
0xbb: {  	[sflag:s26] =	ssyncset.done $0x0  }
0xbc: {  	[sflag:s26] =	ssyncadd.s32 $0xFFFFFF80  }
0xbd: {  	s4 =	stileid.u32  }
0xbe: {  	s4 =	sshll.u32 s4, $0x6  }
0xbf: {  	[bflag:$0x0] =	sbarrier.arrive $0xFFFF;
	s9 =	sshrl.u32 s11, $0x3;
	s4 =	sor.u32 $0x1C01, s4  }
0xc0: {  	[hbm:s22], [sflag:s4] =	dma.local [spmem:s9], $0x2800  }
0xc1: {  	s16 =	sshrl.u32 s12, $0x3;
	s25 =	sadd.s32 $0x1, s25;
	_ =	swait.ge [sflag:s26], $0x2800  }
0xc2: {  	s13 =	simm.s32 $0x20;
	p0 =	sne.s32 s25, s24;
	[sflag:s26] =	ssyncset.done $0x0  }
.Ltmp3:
0xc3: {  	s14 =	simm.s32 $0x10;
	[sflag:s26] =	ssyncadd.s32 $0xFFFFD800;
	(pc) =	sbr.rel @p0 .LBB2_1-.Ltmp3, $4  }
0xc4: {  	[hbm:s23@s13], [sflag:s4] =	dma.strided [spmem:s16@s14], $0x50, s26, $0x10   }
0xc5: {  	_ =	swait.ge [sflag:s26], $0x50  }
0xc6: {  	[sflag:s26] =	ssyncset.done $0x0  }
0xc7: {  	[sflag:s26] =	ssyncadd.s32 $0xFFFFFFB0  }
0xc8: {  	_ =	sfence.sel $0x180000  }
0xc9: {  	[bflag:$0x0] =	sbarrier.arrive $0xFFFF  }
0xca: {  	_ =	strace $0x9000004A  }
0xcb: {  	s0 =	stileid.u32;
	[bflag:$0x2] =	sbarrier.arrive $0xFFFF  }
0xcc: {  	p0 =	sne.s32 s0, $0x0;
	s0 =	rddreg [dreg:$0x4]  }
0xcd: {  	s0 =	sadd.s32 @!p0 $0x100000, s0  }
0xce: {  	[sflag:s0] =	ssyncadd.tile.s32 @!p0 $0x1;
	_ =	shalt  }
.Lfunc_end2:
_tile_overlayer_lowered:
.L_overlay_start_2:
0xcf: {  	(tag) =	ssettag $0x2  }
0xd0: {  	s0 =	rddreg [dreg:$0x0];
	s2 =	stileid.u32  }
0xd1: {  	s1 =	rddreg [dreg:$0x1];
	p0 =	sne.s32 s2, $0x0  }
0xd2: {  	s3 =	rddreg [dreg:$0x2];
	[bflag:$0x3] =	sbarrier.arrive $0xFFFF;
	s2 =	simm.s32 @!p0 $0x1C01  }
0xd3: {  	[timem:s3], [sflag:s2] =	dma.local @!p0 [hbm:s0], s1  }
0xd4: {  	s0 =	simm.s32 @!p0 $0x1  }
0xd5: {  	_ =	swait.ge @!p0 [sflag:s0], s1  }
0xd6: {  	s1 =	ssub.s32 @!p0 $0x0, s1;
	[sflag:s0] =	ssyncset.done @!p0 $0x0  }
0xd7: {  	[sflag:s0] =	ssyncadd.s32 @!p0 s1  }
0xd8: {  	[bflag:$0x3] =	sbarrier.arrive $0xFFFF  }
0xd9: {  	_ =	shalt  }

// kernel: kernel.7.cloned.1.call-start
scs
__scs_entry_jumppad:
0x0: {  	(pc) =	sbr.rel $0x88, $3  }
0x1: {  	(tag) =	ssettag $0x0;
	lr =	simm.s32 $0x1  }
0x2: {  	[smem:$0x3F97] =	sst lr;
	_ =	strace $0xD0000000  }
0x3: {  	_ = 	snop  }
0x4: {  	_ = 	snop  }
0x5: {  	_ = 	snop  }
0x6: {  	_ = 	snop  }
0x7: {  	_ = 	snop  }
__scs_overlays_trampoline_lowered:
0x8: {  	[smem:$0x3FA6] =	sst s0  }
0x9: {  	[smem:$0x3FA7] =	sst s1  }
0xa: {  	[smem:$0x3FA8] =	sst s2  }
0xb: {  	[smem:$0x3FA9] =	sst s3  }
0xc: {  	[smem:$0x3FAA] =	sst s4  }
0xd: {  	[smem:$0x3FAB] =	sst s5  }
0xe: {  	[smem:$0x3FAC] =	sst s6  }
0xf: {  	[smem:$0x3FAD] =	sst s7  }
0x10: {  	[smem:$0x3FAE] =	sst s8  }
0x11: {  	[smem:$0x3FAF] =	sst s9;
	s0 =	simm.s32 @!p0 $0x0  }
0x12: {  	s1 =	sld [smem:$0x3F95];
	s0 =	simm.s32 @p0 $0x1  }
0x13: {  	[smem:$0x3FB0] =	sst s0;
	s0 =	simm.s32 @!p1 $0x0  }
0x14: {  	s2 =	sld [smem:$0x3F94];
	s0 =	simm.s32 @p1 $0x1  }
0x15: {  	[smem:$0x3FB1] =	sst s0;
	s0 =	simm.s32 @!p2 $0x0  }
0x16: {  	s3 =	sld [smem:$0x3FDB];
	s0 =	simm.s32 @p2 $0x1  }
0x17: {  	s4 =	simm.s32 $0x1BF5;
	[smem:$0x3FB3] =	sst s0  }
0x18: {  	s0 =	sld [smem:$0x3F96];
	_ =	swait.ge [sflag:s4], $0x0  }
0x19: {  	s7 =	sld [smem:$0x3F97]  }
0x1a: {  	s8 =	sadd.s32 $0xFFFFE003, lr  }
0x1b: {  	s9 =	sadd.s32 $0xFFFFFEF7, lr;
	s5 =	simm.s32 $0xFFFFFFFF;
	p2 =	slt.u32 s8, $0xFFFFF086  }
0x1c: {  	p1 =	slt.u32 s9, $0xF7A;
	s5 =	simm.s32 @!p2 $0x0  }
0x1d: {  	s5 =	simm.s32 @p1 $0x1;
	p0 =	seq.s32 s7, s2  }
0x1e: {  	s7 =	smul.u32 @!p0 $0xF7A, s2;
	p2 =	seq.s32 @!p0 s5, $0x0  }
0x1f: {  	s9 =	smul.u32 $0xF7A, s1;
	s8 =	simm.s32 @!p0 $0x1BF5;
	p2 =	por !p2, p0  }
0x20: {  	[sflag:s8] =	ssyncset.s32 @!p0 $0xFFFFF086;
	s6 =	sadd.s32 @!p0 s3, s7;
	s7 =	simm.s32 @!p0 $0x108  }
0x21: {  	s3 =	sadd.s32 s3, s9;
	s6 =	sadd.s32 @!p0 $0x88, s6;
	s7 =	simm.s32 @p2 $0x1082  }
0x22: {  	[simem:s7], [sflag:s8] =	dma.local @!p0 [hbm:s6], $0xF7A  }
0x23: {  	s9 =	sor.u32 $0xD0000000, s2;
	s6 =	simm.s32 $0x108;
	_ =	swait.ge @!p0 [sflag:s8], $0x0  }
0x24: {  	s3 =	sadd.s32 $0x88, s3;
	s6 =	simm.s32 @!p1 $0x1082;
	[sflag:s4] =	ssyncset.s32 $0xFFFFF086  }
0x25: {  	[simem:s6], [sflag:s4] =	dma.local [hbm:s3], $0xF7A  }
0x26: {  	[smem:$0x3F97] =	sst s1;
	(tag) =	ssettag s2;
	_ =	strace s9  }
0x27: {  	s1 =	sld [smem:$0x3FA7]  }
0x28: {  	s2 =	sld [smem:$0x3FA8]  }
0x29: {  	s4 =	sld [smem:$0x3FAA]  }
0x2a: {  	p0 =	seq.s32 s5, $0x0;
	s5 =	sld [smem:$0x3FAB]  }
0x2b: {  	s6 =	sld [smem:$0x3FAC]  }
0x2c: {  	s7 =	sld [smem:$0x3FAD]  }
0x2d: {  	s3 =	simm.s32 $0x108;
	s8 =	sld [smem:$0x3FAE]  }
0x2e: {  	s3 =	simm.s32 @!p0 $0x1082;
	s9 =	sld [smem:$0x3FAF]  }
0x2f: {  	lr =	sadd.s32 s0, s3;
	s0 =	sld [smem:$0x3FA6]  }
0x30: {  	s3 =	sld [smem:$0x3FA9]  }
0x31: {  	[smem:$0x3FB2] =	sst s10  }
0x32: {  	s10 =	sld [smem:$0x3FB0];
	_ =	sdelay $0x3  }
0x33: {  	p0 =	seq.s32 s10, $0x1;
	s10 =	sld [smem:$0x3FB2];
	_ =	sdelay $0x3  }
0x34: {  	[smem:$0x3FB2] =	sst s10  }
0x35: {  	s10 =	sld [smem:$0x3FB1];
	_ =	sdelay $0x3  }
0x36: {  	p1 =	seq.s32 s10, $0x1;
	s10 =	sld [smem:$0x3FB2];
	_ =	sdelay $0x3  }
0x37: {  	[smem:$0x3FB2] =	sst s10  }
0x38: {  	s10 =	sld [smem:$0x3FB3]  }
0x39: {  	_ = 	snop;
	(pc) =	sbr.ind lr, $3  }
0x3a: {  	_ = 	snop  }
0x3b: {  	_ = 	snop  }
0x3c: {  	p2 =	seq.s32 s10, $0x1;
	s10 =	sld [smem:$0x3FB2]  }
0x3d: {  	_ =	shalt  }
0x3e: {  	_ =	shalt  }
0x3f: {  	_ =	shalt  }
0x40: {  	_ =	shalt  }
0x41: {  	_ =	shalt  }
0x42: {  	_ =	shalt  }
0x43: {  	_ =	shalt  }
0x44: {  	_ =	shalt  }
0x45: {  	_ =	shalt  }
0x46: {  	_ =	shalt  }
0x47: {  	_ =	shalt  }
0x48: {  	_ =	shalt  }
0x49: {  	_ =	shalt  }
0x4a: {  	_ =	shalt  }
0x4b: {  	_ =	shalt  }
0x4c: {  	_ =	shalt  }
0x4d: {  	_ =	shalt  }
0x4e: {  	_ =	shalt  }
0x4f: {  	_ =	shalt  }
0x50: {  	_ =	shalt  }
0x51: {  	_ =	shalt  }
0x52: {  	_ =	shalt  }
0x53: {  	_ =	shalt  }
0x54: {  	_ =	shalt  }
0x55: {  	_ =	shalt  }
0x56: {  	_ =	shalt  }
0x57: {  	_ =	shalt  }
0x58: {  	_ =	shalt  }
0x59: {  	_ =	shalt  }
0x5a: {  	_ =	shalt  }
0x5b: {  	_ =	shalt  }
0x5c: {  	_ =	shalt  }
0x5d: {  	_ =	shalt  }
0x5e: {  	_ =	shalt  }
0x5f: {  	_ =	shalt  }
0x60: {  	_ =	shalt  }
0x61: {  	_ =	shalt  }
0x62: {  	_ =	shalt  }
0x63: {  	_ =	shalt  }
0x64: {  	_ =	shalt  }
0x65: {  	_ =	shalt  }
0x66: {  	_ =	shalt  }
0x67: {  	_ =	shalt  }
0x68: {  	_ =	shalt  }
0x69: {  	_ =	shalt  }
0x6a: {  	_ =	shalt  }
0x6b: {  	_ =	shalt  }
0x6c: {  	_ =	shalt  }
0x6d: {  	_ =	shalt  }
0x6e: {  	_ =	shalt  }
0x6f: {  	_ =	shalt  }
0x70: {  	_ =	shalt  }
0x71: {  	_ =	shalt  }
0x72: {  	_ =	shalt  }
0x73: {  	_ =	shalt  }
0x74: {  	_ =	shalt  }
0x75: {  	_ =	shalt  }
0x76: {  	_ =	shalt  }
0x77: {  	_ =	shalt  }
0x78: {  	_ =	shalt  }
0x79: {  	_ =	shalt  }
0x7a: {  	_ =	shalt  }
0x7b: {  	_ =	shalt  }
0x7c: {  	_ =	shalt  }
0x7d: {  	_ =	shalt  }
0x7e: {  	_ =	shalt  }
0x7f: {  	_ =	shalt  }
0x80: {  	_ =	shalt  }
0x81: {  	_ =	shalt  }
0x82: {  	_ =	shalt  }
0x83: {  	_ =	shalt  }
0x84: {  	_ =	shalt  }
0x85: {  	_ =	shalt  }
0x86: {  	_ =	shalt  }
0x87: {  	_ =	shalt  }
.Lfunc_end0:
.L_simem_size_0:
called_computation_lowered:
.L_overlay_start_0:
0x88: {  	s2 =	sld [smem:$0x3FD9]  }
0x89: {  	s3 =	sld [smem:$0x3FFE];
	_ =	sdelay $0x1  }
0x8a: {  	s1 =	srdreg.scid  }
0x8b: {  	s0 =	sand.u32 $0x1, s1  }
0x8c: {  	s17 =	sshll.u32 s0, $0xA;
	s2 =	sadd.s32 s3, s2  }
0x8d: {  	s2 =	sadd.s32 s2, s17  }
0x8e: {  	[smem:$0x3FBE] =	sst s2  }
0x8f: {  	_ = 	snop  }
0x90: {  	s2 =	sld [smem:$0x3FD0];
	(tm) =	ssettm $0x1  }
0x91: {  	s18 =	sld [smem:$0x3FFB];
	_ =	sdelay $0x3  }
0x92: {  	_ =	strace s18  }
0x93: {  	s3 =	sld [smem:$0x3FFC];
	_ =	sdelay $0x3  }
0x94: {  	_ =	strace s3  }
0x95: {  	s3 =	sld [smem:$0x3FFD];
	_ =	sdelay $0x3  }
0x96: {  	_ =	strace s3  }
0x97: {  	_ =	strace $0x8FFFFFFF  }
0x98: {  	s19 =	sld [smem:$0x3FDB];
	_ =	sdelay $0x1  }
0x99: {  	s4 =	simm.s32 $_scs_section_size  }
0x9a: {  	s5 =	simm.s32 $_size__tile_overlayer_lowered;
	s6 =	simm.s32 $_tile_overlayer_lowered  }
0x9b: {  	s22 =	simm.s32 $0x1BFF;
	s21 =	sshll.u32 s6, $0x1;
	s3 =	sadd.s32 s4, s19  }
0x9c: {  	s7 =	simm.s32 $0x0;
	s20 =	sshll.u32 s5, $0x1;
	s5 =	sadd.s32 s21, s3  }
0x9d: {  	[timem:s7], [sflag:s22] =	dma.local [hbm:s5], s20  }
0x9e: {  	_ =	swait.ge [sflag:s22], s20  }
0x9f: {  	s4 =	ssub.s32 $0x0, s20;
	[sflag:s22] =	ssyncset.done $0x0  }
0xa0: {  	[sflag:s22] =	ssyncadd.s32 s4;
	_ =	sdelay $0x1  }
0xa1: {  	s23 =	simm.s32 $0x1B8B  }
0xa2: {  	_ =	swait.ge [sflag:s23], $0x1  }
0xa3: {  	[sflag:s23] =	ssyncset.done $0x0  }
0xa4: {  	s25 =	simm.s32 $0x1B8E;
	s24 =	sld [smem:$0x3FFE];
	[sflag:s23] =	ssyncadd.s32 $0xFFFFFFFF  }
0xa5: {  	s26 =	simm.s32 $execute0_lowered;
	[smem:$0x3FD2] =	sst s25  }
0xa6: {  	s5 =	sshll.u32 s26, $0x1;
	_ =	strace $0x80000046;
	[dreg:$0x1] =	wrdreg $0xFFFFFFFF  }
0xa7: {  	s28 =	simm.s32 $_size_execute0_lowered;
	s3 =	sadd.s32 s3, s5;
	[dreg:$0x0] =	wrdreg $0x0  }
0xa8: {  	s5 =	sshll.u32 s28, $0x1;
	[dreg:$0x2] =	wrdreg s3  }
0xa9: {  	[dreg:$0x3] =	wrdreg s5  }
0xaa: {  	[dreg:$0x4] =	wrdreg $0xC0  }
0xab: {  	_ =	task [dreg:s7], $0x5FFFF  }
0xac: {  	[dreg:$0x1] =	wrdreg $0xFFFFFFFF  }
0xad: {  	[dreg:$0x0] =	wrdreg $0x60  }
0xae: {  	[dreg:$0x2] =	wrdreg s24  }
0xaf: {  	[dreg:$0x3] =	wrdreg s2  }
0xb0: {  	[dreg:$0x4] =	wrdreg $0x43000  }
0xb1: {  	[dreg:$0x5] =	wrdreg $0x183000  }
0xb2: {  	[dreg:$0x6] =	wrdreg $0x9  }
0xb3: {  	_ =	task.clear_ibuf [dreg:s7], $0x7FFFF;
	_ =	strace $0x90000046  }
0xb4: {  	s29 =	simm.s32 $0x9;
	_ =	strace $0x80000048  }
0xb5: {  	_ =	swait.ge [sflag:s29], $0x1  }
0xb6: {  	[sflag:s29] =	ssyncadd.s32 $0xFFFFFFFF  }
0xb7: {  	_ =	strace $0x90000048  }
0xb8: {  	_ =	sfence  }
0xb9: {  	s30 =	sld [smem:$0x0];
	_ =	sdelay $0x2  }
0xba: {  	s31 =	sshll.u32 s1, $0xD;
	s1 =	sshrl.u32 s1, $0x2  }
0xbb: {  	s3 =	sand.u32 $0x4000, s31;
	s1 =	sadd.s32 s1, s30  }
0xbc: {  	s0 =	sor.u32 s3, s0;
	s1 =	sshll.u32 s1, $0x11  }
0xbd: {  	s0 =	sor.u32 s1, s0  }
0xbe: {  	s0 =	sadd.s32 $0x8F2B, s0  }
0xbf: {  	[sflag:s0] =	ssyncadd.remote.s32 $0x1  }
0xc0: {  	_ =	sfence.sel $0xFFFF  }
0xc1: {  	[dreg:$0x0] =	wrdreg $0xFFFFFFFF;
	(pc) =	sbr.abs _section_cstart, $3  }
0xc2: {  	[dreg:$0x1] =	wrdreg $0xFFFFFFFF  }
0xc3: {  	_ =	task.clear_ibuf [dreg:s7], $0x2FFFF;
	_ =	strace $0x9FFFFFFF  }
0xc4: {  	(tm) =	ssettm $0x7FFFFFFF  }
0xc5: {  	_ =	shalt  }
tec
execute0_lowered:
.L_overlay_start_1:
0x0: {  	(tag) =	ssettag $0x1  }
0x1: {  	s0 =	rddreg [dreg:$0x0]  }
0x2: {  	s1 =	rddreg [dreg:$0x1]  }
0x3: {  	s2 =	rddreg [dreg:$0x2]  }
0x4: {  	s3 =	rddreg [dreg:$0x3]  }
0x5: {  	s4 =	srdreg.scid;
	s5 =	simm.s32 $0x0;
	s16 =	stileid.u32  }
0x6: {  	s28 =	simm.s32 $0x280;
	s29 =	simm.s32 $0x80;
	s10 =	smul.u32 $0x14000, s16  }
0x7: {  	s30 =	simm.s32 $0x100;
	s31 =	simm.s32 $0x180;
	s11 =	smul.u32 $0x500, s16  }
0x8: {  	s4 =	sand.u32 $0x1, s4;
	[smem:$0x7FF] =	sst s5;
	s13 =	smul.u32 $0x50000, s16  }
0x9: {  	s6 =	sadd.s32 $0xD800, s0;
	s7 =	sadd.s32 $0x35800, s0;
	s14 =	smul.u32 $0x280, s16  }
0xa: {  	s8 =	sadd.s32 $0x35E00, s0;
	s17 =	sadd.s32 $0x36400, s0;
	s9 =	smul.u32 $0x140000, s4  }
0xb: {  	_ =	strace $0x80000047;
	[dreg:$0x5] =	wrdreg s17;
	s12 =	sshll.u32 s4, $0x7  }
0xc: {  	s18 =	ssub.s32 $0x2, s4;
	s4 =	sshll.u32 s4, $0x4;
	s11 =	sor.u32 s12, s11  }
0xd: {  	s19 =	sshrl.u32 s18, $0x1;
	s20 =	sshrl.u32 s13, $0x2;
	s4 =	sor.u32 s16, s4  }
0xe: {  	s21 =	sadd.s32 $0x80, s14;
	s12 =	sadd.s32 s14, s3;
	s17 =	sadd.s32 $0x100, s14  }
0xf: {  	s24 =	sadd.s32 $0x180, s14;
	s14 =	sadd.s32 $0x200, s14;
	s9 =	sadd.s32 s10, s9  }
0x10: {  	s10 =	sadd.s32 $0x3800, s0;
	s11 =	sshrl.u32 s11, $0x3;
	s15 =	ssub.s32 s18, s19  }
0x11: {  	s22 =	sshll.u32 s21, $0x7;
	s13 =	sadd.s32 s21, s3;
	s23 =	sshll.u32 s17, $0x7  }
0x12: {  	s25 =	sadd.s32 s17, s3;
	s26 =	sshll.u32 s24, $0x7;
	s19 =	sshll.u32 s14, $0x7  }
0x13: {  	s18 =	sadd.s32 s24, s3;
	s21 =	smul.u32 $0x2800, s4;
	s9 =	sshrl.u32 s9, $0x3  }
0x14: {  	s16 =	sadd.s32 s22, s2;
	[dreg:$0x7] =	wrdreg s13;
	s13 =	sadd.s32 s23, s2  }
0x15: {  	[dreg:$0x9] =	wrdreg s25;
	s17 =	sadd.s32 s26, s2;
	s19 =	sadd.s32 s19, s2  }
0x16: {  	s24 =	smax.u32 s15, $0x1;
	s26 =	simm.s32 $0x1;
	s25 =	simm.s32 $0x0  }
0x17: {  	s9 =	sadd.s32 s9, s0;
	s0 =	sadd.s32 s11, s0;
	[dreg:$0x6] =	wrdreg s16  }
0x18: {  	s11 =	sadd.s32 s20, s2;
	[dreg:$0x8] =	wrdreg s13;
	s20 =	sadd.s32 s14, s3  }
0x19: {  	v0 =	vimm.f32 $0.0e+00;
	s22 =	sadd.s32 $0x37000, s9;
	s23 =	sadd.s32 $0x36600, s0;
	s0 =	simm.s32 $0x4280  }
.LBB2_1:
0x1a: {  	s4 =	rddreg [dreg:$0x5];
	s9 =	simm.s32 $0x200  }
0x1b: {  	[tilespmem:s9], [sflag:$0x1] =	stream.linear.gather [hbm4b:s4+s5], $0x80, $0x38;
	[tilespmem:$0x18580] =	vst v63  }
0x1c: {  	s15 =	sand.u32 $0xFE00, s5;
	s16 =	sand.u32 $0x70, s5;
	_ =	swait.ge [sflag:s26], $0x80  }
0x1d: {  	s13 =	sshrl.u32 s15, $0x2;
	s4 =	simm.s32 $0x40;
	[sflag:s26] =	ssyncset.done $0x0  }
0x1e: {  	s9 =	simm.s32 $0x0;
	s13 =	sor.u32 s16, s13;
	[sflag:s26] =	ssyncadd.s32 $0xFFFFFF80  }
.LBB2_2:
0x1f: {  	p0 =	sne.s32 s4, $0xFFC0  }
0x20: {  	[tilespmem:s13+$0x280] =	vst v0;
	s9 =	sadd.s32 $0x10, s9;
	s13 =	smov.u32 s4;
	s4 =	sadd.s32 $0x40, s4  }
.Ltmp0:
0x21: {  	(pc) =	sbr.rel @p0 .LBB2_2-.Ltmp0, $4  }
0x22: {  	_ = 	snop  }
0x23: {  	s13 =	sand.u32 $0xFE00, s13  }
0x24: {  	s14 =	sand.u32 $0x70, s9;
	s13 =	sshrl.u32 s13, $0x2  }
0x25: {  	s13 =	sor.u32 s14, s13  }
0x26: {  	[tilespmem:s13+$0x280] =	vst v0  }
0x27: {  	[spmem:s11] =	stream.linear.scatter [tilespmem:s28], [sflag:$0x1], $0x4000, $0x38;
	[tilespmem:$0x18580] =	vst v63  }
0x28: {  	_ =	swait.ge [sflag:s26], $0x4000  }
0x29: {  	[sflag:s26] =	ssyncset.done $0x0  }
0x2a: {  	[sflag:s26] =	ssyncadd.s32 $0xFFFFC000  }
0x2b: {  	[spmem:s12] =	stream.linear.scatter [tilespmem:s28], [sflag:$0x1], $0x80, $0x38;
	[tilespmem:$0x18580] =	vst v63  }
0x2c: {  	_ =	swait.ge [sflag:s26], $0x80  }
0x2d: {  	[sflag:s26] =	ssyncset.done $0x0  }
0x2e: {  	s4 =	rddreg [dreg:$0x6];
	[sflag:s26] =	ssyncadd.s32 $0xFFFFFF80  }
0x2f: {  	[spmem:s4] =	stream.linear.scatter [tilespmem:s28], [sflag:$0x1], $0x4000, $0x38;
	[tilespmem:$0x18580] =	vst v63  }
0x30: {  	_ =	swait.ge [sflag:s26], $0x4000  }
0x31: {  	[sflag:s26] =	ssyncset.done $0x0  }
0x32: {  	s14 =	rddreg [dreg:$0x7];
	[sflag:s26] =	ssyncadd.s32 $0xFFFFC000  }
0x33: {  	[spmem:s14] =	stream.linear.scatter [tilespmem:s28], [sflag:$0x1], $0x80, $0x38;
	[tilespmem:$0x18580] =	vst v63  }
0x34: {  	_ =	swait.ge [sflag:s26], $0x80  }
0x35: {  	[sflag:s26] =	ssyncset.done $0x0  }
0x36: {  	s15 =	rddreg [dreg:$0x8];
	[sflag:s26] =	ssyncadd.s32 $0xFFFFFF80  }
0x37: {  	[spmem:s15] =	stream.linear.scatter [tilespmem:s28], [sflag:$0x1], $0x4000, $0x38;
	[tilespmem:$0x18580] =	vst v63  }
0x38: {  	_ =	swait.ge [sflag:s26], $0x4000  }
0x39: {  	[sflag:s26] =	ssyncset.done $0x0  }
0x3a: {  	s16 =	rddreg [dreg:$0x9];
	[sflag:s26] =	ssyncadd.s32 $0xFFFFC000  }
0x3b: {  	[spmem:s16] =	stream.linear.scatter [tilespmem:s28], [sflag:$0x1], $0x80, $0x38;
	[tilespmem:$0x18580] =	vst v63  }
0x3c: {  	_ =	swait.ge [sflag:s26], $0x80  }
0x3d: {  	[sflag:s26] =	ssyncset.done $0x0  }
0x3e: {  	[sflag:s26] =	ssyncadd.s32 $0xFFFFFF80  }
0x3f: {  	[spmem:s17] =	stream.linear.scatter [tilespmem:s28], [sflag:$0x1], $0x4000, $0x38;
	[tilespmem:$0x18580] =	vst v63  }
0x40: {  	_ =	swait.ge [sflag:s26], $0x4000  }
0x41: {  	[sflag:s26] =	ssyncset.done $0x0  }
0x42: {  	[sflag:s26] =	ssyncadd.s32 $0xFFFFC000  }
0x43: {  	[spmem:s18] =	stream.linear.scatter [tilespmem:s28], [sflag:$0x1], $0x80, $0x38;
	[tilespmem:$0x18580] =	vst v63  }
0x44: {  	_ =	swait.ge [sflag:s26], $0x80  }
0x45: {  	[sflag:s26] =	ssyncset.done $0x0  }
0x46: {  	[sflag:s26] =	ssyncadd.s32 $0xFFFFFF80  }
0x47: {  	[spmem:s19] =	stream.linear.scatter [tilespmem:s28], [sflag:$0x1], $0x4000, $0x38;
	[tilespmem:$0x18580] =	vst v63  }
0x48: {  	_ =	swait.ge [sflag:s26], $0x4000  }
0x49: {  	[sflag:s26] =	ssyncset.done $0x0  }
0x4a: {  	[sflag:s26] =	ssyncadd.s32 $0xFFFFC000  }
0x4b: {  	[spmem:s20] =	stream.linear.scatter [tilespmem:s28], [sflag:$0x1], $0x80, $0x38;
	[tilespmem:$0x18580] =	vst v63  }
0x4c: {  	_ =	swait.ge [sflag:s26], $0x80  }
0x4d: {  	[sflag:s26] =	ssyncset.done $0x0  }
0x4e: {  	[sflag:s26] =	ssyncadd.s32 $0xFFFFFF80  }
0x4f: {  	[bflag:$0x0] =	sbarrier.arrive $0xFFFF  }
0x50: {  	s9 =	simm.s32 $0x0;
	s4 =	simm.s32 $0x0;
	v1 =	vld [tilespmem:$0x200]  }
.LBB2_4:
0x51: {  	s13 =	sshll.u32 s9, $0x7  }
0x52: {  	s14 =	sand.u32 $0x3C00, s13  }
0x53: {  	s13 =	sand.u32 $0x380, s13;
	s14 =	sadd.s32 s21, s14  }
0x54: {  	s13 =	sor.u32 s13, s14  }
0x55: {  	s13 =	sshrl.u32 s13, $0x3  }
0x56: {  	s16 =	sadd.s32 s1, s13  }
0x57: {  	[tilespmem:s4], [sflag:$0x1] =	stream.linear.gather [hbm4b:s16+s4], $0x80, $0x38;
	[tilespmem:$0x18580] =	vst v63  }
0x58: {  	_ =	swait.ge [sflag:s26], $0x80  }
0x59: {  	[sflag:s26] =	ssyncset.done $0x0  }
0x5a: {  	s13 =	sadd.s32 s10, s13;
	[sflag:s26] =	ssyncadd.s32 $0xFFFFFF80  }
0x5b: {  	[tilespmem:s29], [sflag:$0x1] =	stream.linear.gather [hbm4b:s13+s4], $0x80, $0x38;
	[tilespmem:$0x18580] =	vst v63  }
0x5c: {  	_ =	swait.ge [sflag:s26], $0x80  }
0x5d: {  	[sflag:s26] =	ssyncset.done $0x0  }
0x5e: {  	[sflag:s26] =	ssyncadd.s32 $0xFFFFFF80  }
0x5f: {  	[tilespmem:s30], [sflag:$0x1] =	stream.indirect.gather [hbm4b:s7+s29], $0x1, s4, s29, $0xb8;
	[tilespmem:$0x18580] =	vst v63  }
0x60: {  	_ =	swait.ge [sflag:s26], $0x80  }
0x61: {  	[sflag:s26] =	ssyncset.done $0x0  }
0x62: {  	[sflag:s26] =	ssyncadd.s32 $0xFFFFFF80  }
0x63: {  	[tilespmem:s31], [sflag:$0x1] =	stream.indirect.gather [hbm4b:s8+s29], $0x1, s29, s29, $0xb8;
	[tilespmem:$0x18580] =	vst v63  }
0x64: {  	_ =	swait.ge [sflag:s26], $0x80  }
0x65: {  	[sflag:s26] =	ssyncset.done $0x0  }
0x66: {  	[sflag:s26] =	ssyncadd.s32 $0xFFFFFF80  }
0x67: {  	[tilespmem:s28], [sflag:$0x1] =	stream.indirect.gather [hbm4b:s6+s29], $0x80, s4, s29, $0xb8;
	[tilespmem:$0x18580] =	vst v63  }
0x68: {  	_ =	swait.ge [sflag:s26], $0x4000  }
0x69: {  	[sflag:s26] =	ssyncset.done $0x0  }
0x6a: {  	[sflag:s26] =	ssyncadd.s32 $0xFFFFC000  }
0x6b: {  	v2 =	vld [tilespmem:$0x100]  }
0x6c: {  	v3 =	vld [tilespmem:$0x180]  }
0x6d: {  	v4 =	vld [tilespmem:$0x110]  }
0x6e: {  	v5 =	vld [tilespmem:$0x190]  }
0x6f: {  	v6 =	vld [tilespmem:$0x120]  }
0x70: {  	v7 =	vld [tilespmem:$0x1A0];
	_ =	sdelay $0x1  }
0x71: {  	v8 =	vld [tilespmem:$0x1B0];
	v2 =	vadd.f32 v3, v2  }
0x72: {  	v3 =	vld [tilespmem:$0x130]  }
0x73: {  	v10 =	vld [tilespmem:$0x150];
	v4 =	vadd.f32 v5, v4;
	v9 =	vmul.f32 $2.000000030e-01, v2  }
0x74: {  	v12 =	vld [tilespmem:$0x1D0];
	v6 =	vadd.f32 v7, v6;
	vm0 =	vge.f32 v2, $0.0e+00  }
0x75: {  	v5 =	vld [tilespmem:$0x140];
	v2 =	vsel vm0, v2, v9;
	v9 =	vmul.f32 $2.000000030e-01, v4  }
0x76: {  	v7 =	vld [tilespmem:$0x1C0];
	vm9 =	vge.f32 v4, $0.0e+00;
	v11 =	vmul.f32 $2.000000030e-01, v6;
	v2 =	vsub.f32 v2, v1  }
0x77: {  	v13 =	vld [tilespmem:$0x170];
	vm10 =	vge.f32 v6, $0.0e+00;
	v3 =	vadd.f32 v8, v3;
	v4 =	vsel vm9, v4, v9  }
0x78: {  	v6 =	vsel vm10, v6, v11;
	v8 =	vld [tilespmem:$0x160];
	v2 =	vmul.f32 $1.442695020e+00, v2;
	v4 =	vsub.f32 v4, v1  }
0x79: {  	v6 =	vsub.f32 v6, v1;
	v9 =	vld [tilespmem:$0x1E0];
	v11 =	vmul.f32 $2.000000030e-01, v3  }
0x7a: {  	vm11 =	vge.f32 v3, $0.0e+00;
	(erf) = vpow2.f32 v2;
	v2 =	vmul.f32 $1.442695020e+00, v4;
	v4 =	vld [tilespmem:$0x1F0]  }
0x7b: {  	v5 =	vadd.f32 v7, v5;
	v6 =	vmul.f32 $1.442695020e+00, v6;
	v3 =	vsel vm11, v3, v11  }
0x7c: {  	(erf) = vpow2.f32 v2;
	v2 =	vsub.f32 v3, v1  }
0x7d: {  	v3 =	vmul.f32 $2.000000030e-01, v5;
	(erf) = vpow2.f32 v6;
	v6 =	vadd.f32 v12, v10  }
0x7e: {  	vm12 =	vge.f32 v5, $0.0e+00;
	v7 =	vadd.f32 v9, v8;
	v2 =	vmul.f32 $1.442695020e+00, v2  }
0x7f: {  	v3 =	vsel vm12, v5, v3;
	v5 =	vmul.f32 $2.000000030e-01, v6;
	v4 =	vadd.f32 v4, v13  }
0x80: {  	v8 =	vmul.f32 $2.000000030e-01, v7;
	vm14 =	vge.f32 v7, $0.0e+00;
	vm13 =	vge.f32 v6, $0.0e+00  }
0x81: {  	v3 =	vsub.f32 v3, v1;
	v5 =	vsel vm13, v6, v5;
	v6 =	vmul.f32 $2.000000030e-01, v4  }
0x82: {  	v7 =	vsel vm14, v7, v8;
	vm15 =	vge.f32 v4, $0.0e+00;
	v5 =	vsub.f32 v5, v1  }
0x83: {  	v3 =	vmul.f32 $1.442695020e+00, v3;
	v7 =	vsub.f32 v7, v1;
	v4 =	vsel vm15, v4, v6  }
0x84: {  	(erf) = vpow2.f32 v2;
	v2 =	vmul.f32 $1.442695020e+00, v5;
	v4 =	vsub.f32 v4, v1  }
0x85: {  	(erf) = vpow2.f32 v3;
	v3 =	vmul.f32 $1.442695020e+00, v7  }
0x86: {  	(erf) = vpow2.f32 v2;
	v2 =	vmul.f32 $1.442695020e+00, v4  }
0x87: {  	(erf) = vpow2.f32 v3  }
0x88: {  	(erf) = vpow2.f32 v2;
	_ =	sdelay $0x1  }
0x89: {  	v2 =	vpop (erf)  }
0x8a: {  	v3 =	vpop (erf);
	[tilespmem:$0x4280] =	vst v2  }
0x8b: {  	v2 =	vpop (erf);
	[tilespmem:$0x4290] =	vst v3  }
0x8c: {  	v3 =	vpop (erf);
	[tilespmem:$0x42A0] =	vst v2  }
0x8d: {  	v2 =	vpop (erf);
	[tilespmem:$0x42B0] =	vst v3  }
0x8e: {  	v3 =	vpop (erf);
	[tilespmem:$0x42C0] =	vst v2  }
0x8f: {  	v2 =	vpop (erf);
	[tilespmem:$0x42D0] =	vst v3  }
0x90: {  	v3 =	vmov s4;
	[tilespmem:$0x42E0] =	vst v2;
	v2 =	vpop (erf)  }
0x91: {  	s13 =	simm.s32 $0x2C0;
	[tilespmem:$0x42F0] =	vst v2  }
0x92: {  	v6 =	vld [tilespmem:s13+$0x30]  }
0x93: {  	v9 =	vld [tilespmem:s13+$0x10]  }
0x94: {  	v7 =	vld [tilespmem:s13+$0xFFFFFFC0]  }
0x95: {  	v3 =	vld.idx.msk [tilespmem:v3+s0+$0x0], $0xffff  }
0x96: {  	v11 =	vld [tilespmem:s13+$0xFFFFFFE0]  }
0x97: {  	v2 =	vld [tilespmem:s13+$0xFFFFFFF0]  }
0x98: {  	v4 =	vld [tilespmem:s13+$0x20]  }
0x99: {  	v5 =	vld [tilespmem:s13+$0xFFFFFFD0]  }
0x9a: {  	v10 =	vmul.f32 v6, v3;
	v6 =	vld [tilespmem:s13+$0x0]  }
0x9b: {  	v8 =	vmul.f32 v7, v3  }
0x9c: {  	s15 =	simm.s32 $0x2C0;
	s14 =	simm.s32 $0x1;
	v7 =	vmul.f32 v11, v3;
	v9 =	vmul.f32 v9, v3  }
.LBB2_5:
0x9d: {  	p0 =	sne.s32 s14, $0x7F  }
0x9e: {  	v5 =	vmul.f32 v5, v3;
	v4 =	vmul.f32 v4, v3;
	[tilespmem:s13+$0x30] =	vst v10;
	s15 =	sadd.s32 $0x80, s15;
	s16 =	smov.u32 s14;
	s14 =	sadd.s32 $0x1, s14  }
0x9f: {  	[tilespmem:s13+$0xFFFFFFC0] =	vst v8;
	v8 =	vmul.f32 v2, v3;
	v3 =	vmul.f32 v6, v3  }
0xa0: {  	[tilespmem:s13+$0x10] =	vst v9  }
0xa1: {  	v6 =	vmov s16;
	[tilespmem:s13+$0xFFFFFFE0] =	vst v7  }
0xa2: {  	v2 =	vld [tilespmem:s15+$0xFFFFFFF0];
	[tilespmem:s13+$0xFFFFFFF0] =	vst v8  }
0xa3: {  	v7 =	vld [tilespmem:s15+$0x30];
	[tilespmem:s13+$0x0] =	vst v3  }
0xa4: {  	v9 =	vld [tilespmem:s15+$0x10];
	[tilespmem:s13+$0x20] =	vst v4  }
0xa5: {  	v8 =	vld [tilespmem:s15+$0xFFFFFFC0];
	[tilespmem:s13+$0xFFFFFFD0] =	vst v5;
	s13 =	smov.u32 s15  }
0xa6: {  	v3 =	vld.idx.msk [tilespmem:v6+s0+$0x0], $0xffff  }
0xa7: {  	v11 =	vld [tilespmem:s15+$0xFFFFFFE0]  }
0xa8: {  	v4 =	vld [tilespmem:s15+$0x20]  }
.Ltmp1:
0xa9: {  	v5 =	vld [tilespmem:s15+$0xFFFFFFD0];
	(pc) =	sbr.rel @p0 .LBB2_5-.Ltmp1, $3  }
0xaa: {  	v6 =	vld [tilespmem:s15+$0x0];
	_ =	sdelay $0x1  }
0xab: {  	v8 =	vmul.f32 v8, v3;
	v10 =	vmul.f32 v7, v3  }
0xac: {  	v9 =	vmul.f32 v9, v3;
	v7 =	vmul.f32 v11, v3  }
0xad: {  	[tilespmem:s13+$0x30] =	vst v10  }
0xae: {  	[tilespmem:s13+$0xFFFFFFC0] =	vst v8  }
0xaf: {  	v2 =	vmul.f32 v2, v3;
	[tilespmem:s13+$0x10] =	vst v9  }
0xb0: {  	v4 =	vmul.f32 v4, v3;
	[tilespmem:s13+$0xFFFFFFE0] =	vst v7  }
0xb1: {  	v6 =	vmul.f32 v6, v3;
	[tilespmem:s13+$0xFFFFFFF0] =	vst v2  }
0xb2: {  	v2 =	vmul.f32 v5, v3;
	[tilespmem:s13+$0x20] =	vst v4  }
0xb3: {  	[tilespmem:s13+$0x0] =	vst v6  }
0xb4: {  	[tilespmem:s13+$0xFFFFFFD0] =	vst v2  }
0xb5: {  	[spmem:s2] =	stream.indirect.scatter.add.f32 [tilespmem:s28], [sflag:$0x1], $0x80, s29, s29, $0xb8;
	[tilespmem:$0x18580] =	vst v63  }
0xb6: {  	s9 =	sadd.s32 $0x1, s9;
	_ =	swait.ge [sflag:s26], $0x4000  }
0xb7: {  	p0 =	sne.s32 s9, $0x4F;
	[sflag:s26] =	ssyncset.done $0x0  }
.Ltmp2:
0xb8: {  	[sflag:s26] =	ssyncadd.s32 $0xFFFFC000;
	(pc) =	sbr.rel @p0 .LBB2_4-.Ltmp2, $4  }
0xb9: {  	[spmem:s3] =	stream.indirect.scatter.add.f32 [tilespmem:s0], [sflag:$0x1], $0x1, s29, s29, $0xb8;
	[tilespmem:$0x18580] =	vst v63  }
0xba: {  	_ =	swait.ge [sflag:s26], $0x80  }
0xbb: {  	[sflag:s26] =	ssyncset.done $0x0  }
0xbc: {  	[sflag:s26] =	ssyncadd.s32 $0xFFFFFF80  }
0xbd: {  	s4 =	stileid.u32  }
0xbe: {  	s4 =	sshll.u32 s4, $0x6  }
0xbf: {  	[bflag:$0x0] =	sbarrier.arrive $0xFFFF;
	s9 =	sshrl.u32 s11, $0x3;
	s4 =	sor.u32 $0x1C01, s4  }
0xc0: {  	[hbm:s22], [sflag:s4] =	dma.local [spmem:s9], $0x2800  }
0xc1: {  	s16 =	sshrl.u32 s12, $0x3;
	s25 =	sadd.s32 $0x1, s25;
	_ =	swait.ge [sflag:s26], $0x2800  }
0xc2: {  	s13 =	simm.s32 $0x20;
	p0 =	sne.s32 s25, s24;
	[sflag:s26] =	ssyncset.done $0x0  }
.Ltmp3:
0xc3: {  	s14 =	simm.s32 $0x10;
	[sflag:s26] =	ssyncadd.s32 $0xFFFFD800;
	(pc) =	sbr.rel @p0 .LBB2_1-.Ltmp3, $4  }
0xc4: {  	[hbm:s23@s13], [sflag:s4] =	dma.strided [spmem:s16@s14], $0x50, s26, $0x10   }
0xc5: {  	_ =	swait.ge [sflag:s26], $0x50  }
0xc6: {  	[sflag:s26] =	ssyncset.done $0x0  }
0xc7: {  	[sflag:s26] =	ssyncadd.s32 $0xFFFFFFB0  }
0xc8: {  	_ =	sfence.sel $0x180000  }
0xc9: {  	[bflag:$0x0] =	sbarrier.arrive $0xFFFF  }
0xca: {  	_ =	strace $0x90000047  }
0xcb: {  	s0 =	stileid.u32;
	[bflag:$0x2] =	sbarrier.arrive $0xFFFF  }
0xcc: {  	p0 =	sne.s32 s0, $0x0;
	s0 =	rddreg [dreg:$0x4]  }
0xcd: {  	s0 =	sadd.s32 @!p0 $0x100000, s0  }
0xce: {  	[sflag:s0] =	ssyncadd.tile.s32 @!p0 $0x1;
	_ =	shalt  }
.Lfunc_end2:
_tile_overlayer_lowered:
.L_overlay_start_2:
0xcf: {  	(tag) =	ssettag $0x2  }
0xd0: {  	s0 =	rddreg [dreg:$0x0];
	s2 =	stileid.u32  }
0xd1: {  	s1 =	rddreg [dreg:$0x1];
	p0 =	sne.s32 s2, $0x0  }
0xd2: {  	s3 =	rddreg [dreg:$0x2];
	[bflag:$0x3] =	sbarrier.arrive $0xFFFF;
	s2 =	simm.s32 @!p0 $0x1C01  }
0xd3: {  	[timem:s3], [sflag:s2] =	dma.local @!p0 [hbm:s0], s1  }
0xd4: {  	s0 =	simm.s32 @!p0 $0x1  }
0xd5: {  	_ =	swait.ge @!p0 [sflag:s0], s1  }
0xd6: {  	s1 =	ssub.s32 @!p0 $0x0, s1;
	[sflag:s0] =	ssyncset.done @!p0 $0x0  }
0xd7: {  	[sflag:s0] =	ssyncadd.s32 @!p0 s1  }
0xd8: {  	[bflag:$0x3] =	sbarrier.arrive $0xFFFF  }
0xd9: {  	_ =	shalt  }

</sc_bundles>
